<compile_context>
chip_gen: v7x
topology: tpu7x:2x2x1
jax: 0.10.2.dev20260603
libtpu: 0.0.44.dev20260713+nightly
codegen_flags: <defaults>
</compile_context>

<pallas_src>
import functools

import jax
import jax.numpy as jnp
from jax import lax
from jax.experimental import pallas as pl
from jax.experimental.pallas import tpu as pltpu
from jax.experimental.pallas import tpu_sc as plsc

N = 10000
E = 320000
ND = 128
ED = 16
H = 512
EPS = 1e-5

NC = 2
NS = 16
NW = NC * NS
LW = 128
IR = E // LW
IRP = 2560
EP = IRP * LW
RPT = IRP // NW
SRT = 160
CR = 5120
RT = CR + NS
EB = 16

BE = 2000
BN = 1000


def _gather_body(x_hbm, sidx_hbm, ridx_hbm, xs_hbm, xr_hbm,
                 sidx_v, ridx_v, bufs, gsem, wsem):
    c = lax.axis_index("c")
    s = lax.axis_index("s")
    wid = s * NC + c
    lo = wid * RPT
    pltpu.sync_copy(sidx_hbm.at[pl.ds(lo, RPT)], sidx_v)
    pltpu.sync_copy(ridx_hbm.at[pl.ds(lo, RPT)], ridx_v)

    T = 2 * RPT

    def fire(t, slot):
        j = t // 2

        @pl.when(lax.rem(t, 2) == 0)
        def _():
            pltpu.async_copy(x_hbm.at[sidx_v.at[j]], bufs.at[slot], gsem.at[slot])

        @pl.when(lax.rem(t, 2) == 1)
        def _():
            pltpu.async_copy(x_hbm.at[ridx_v.at[j]], bufs.at[slot], gsem.at[slot])

    pltpu.async_copy(x_hbm.at[sidx_v.at[0]], bufs.at[0], gsem.at[0])
    pltpu.async_copy(x_hbm.at[ridx_v.at[0]], bufs.at[1], gsem.at[1])

    def body(t, carry):
        slot = lax.rem(t, 4)
        j = t // 2
        row = lo + j
        nt = t + 2
        nslot = lax.rem(nt, 4)

        @pl.when(nt < T)
        def _():
            @pl.when(nt >= 4)
            def _():
                pltpu.make_async_copy(
                    x_hbm.at[pl.ds(0, LW)], bufs.at[nslot], wsem.at[nslot]
                ).wait()

            fire(nt, nslot)

        pltpu.make_async_copy(
            x_hbm.at[pl.ds(0, LW)], bufs.at[slot], gsem.at[slot]
        ).wait()

        @pl.when(lax.rem(t, 2) == 0)
        def _():
            pltpu.async_copy(bufs.at[slot], xs_hbm.at[pl.ds(row * LW, LW)],
                             wsem.at[slot])

        @pl.when(lax.rem(t, 2) == 1)
        def _():
            pltpu.async_copy(bufs.at[slot], xr_hbm.at[pl.ds(row * LW, LW)],
                             wsem.at[slot])

        return carry

    lax.fori_loop(0, T, body, 0)
    for sl in range(4):
        pltpu.make_async_copy(
            x_hbm.at[pl.ds(0, LW)], bufs.at[sl], wsem.at[sl]
        ).wait()


@functools.cache
def _make_gather():
    return pl.kernel(
        _gather_body,
        out_type=(
            jax.ShapeDtypeStruct((EP, ND), jnp.float32),
            jax.ShapeDtypeStruct((EP, ND), jnp.float32),
        ),
        mesh=plsc.VectorSubcoreMesh(
            core_axis_name="c", subcore_axis_name="s", num_cores=NC, num_subcores=NS
        ),
        scratch_types=[
            pltpu.VMEM((RPT, LW), jnp.int32),
            pltpu.VMEM((RPT, LW), jnp.int32),
            pltpu.VMEM((4, LW, ND), jnp.float32),
            pltpu.SemaphoreType.DMA((4,)),
            pltpu.SemaphoreType.DMA((4,)),
        ],
    )


def _gather(x, senders, receivers):
    return _make_gather()(x, senders, receivers)


def _edge_mlp_body(xs, xr, ea, w1a, w1b, w1c, b1, w2, b2, pay, stats):
    bf = jnp.bfloat16
    pre = (
        jnp.dot(xs[...].astype(bf), w1a[...], preferred_element_type=jnp.float32)
        + jnp.dot(xr[...].astype(bf), w1b[...], preferred_element_type=jnp.float32)
        + jnp.dot(ea[...].astype(bf), w1c[...], preferred_element_type=jnp.float32)
        + b1[...]
    )
    h = pre * jax.nn.sigmoid(pre)
    u = jnp.dot(h.astype(bf), w2[...], preferred_element_type=jnp.float32) + b2[...]
    ne = ea[...] + u
    pay[...] = jnp.concatenate(
        [u, jnp.ones((BE, 1), jnp.float32), jnp.zeros((BE, 15), jnp.float32),
         ne, jnp.zeros((BE, 80), jnp.float32)],
        axis=1,
    )
    s1 = jnp.sum(ne)
    s2 = jnp.sum(ne * ne)
    lane = lax.broadcasted_iota(jnp.int32, (1, 128), 1)
    vec = jnp.where(lane == 0, s1, 0.0) + jnp.where(lane == 1, s2, 0.0)

    @pl.when(pl.program_id(0) == 0)
    def _():
        stats[...] = jnp.zeros_like(stats)

    stats[...] += vec


def _edge_mlp(xs, xr, ea, w1a, w1b, w1c, b1, w2, b2):
    return pl.pallas_call(
        _edge_mlp_body,
        grid=(E // BE,),
        in_specs=[
            pl.BlockSpec((BE, ND), lambda i: (i, 0)),
            pl.BlockSpec((BE, ND), lambda i: (i, 0)),
            pl.BlockSpec((BE, ED), lambda i: (i, 0)),
            pl.BlockSpec((ND, H), lambda i: (0, 0)),
            pl.BlockSpec((ND, H), lambda i: (0, 0)),
            pl.BlockSpec((ED, H), lambda i: (0, 0)),
            pl.BlockSpec((1, H), lambda i: (0, 0)),
            pl.BlockSpec((H, ED), lambda i: (0, 0)),
            pl.BlockSpec((1, ED), lambda i: (0, 0)),
        ],
        out_specs=[
            pl.BlockSpec((BE, 128), lambda i: (i, 0)),
            pl.BlockSpec((1, 128), lambda i: (0, 0)),
        ],
        out_shape=[
            jax.ShapeDtypeStruct((E, 128), jnp.float32),
            jax.ShapeDtypeStruct((1, 128), jnp.float32),
        ],
    )(xs, xr, ea, w1a, w1b, w1c, b1, w2, b2)


def _scatter_body(pay_hbm, ridx_hbm, zeros_hbm, seg_hbm,
                  idx_all, cidx4, pay4, ebuf_v, seg_sh, psem, ssem):
    c = lax.axis_index("c")
    s = lax.axis_index("s")
    base = c * CR
    trash = CR + s

    @pl.when(s == 0)
    def _():
        pltpu.sync_copy(zeros_hbm, seg_sh)

    lo = s * SRT
    cnt = jnp.where(s < NS - 1, SRT, IR - (NS - 1) * SRT)
    pltpu.sync_copy(ridx_hbm.at[pl.ds(lo, SRT)], idx_all)
    plsc.subcore_barrier()

    pltpu.async_copy(pay_hbm.at[pl.ds(lo * LW, LW)], pay4.at[0], psem.at[0])
    pltpu.async_copy(pay_hbm.at[pl.ds((lo + 1) * LW, LW)], pay4.at[1], psem.at[1])

    def body(p, carry):
        slot = lax.rem(p, 4)
        nt = p + 2
        nslot = lax.rem(nt, 4)

        @pl.when(nt < cnt)
        def _():
            @pl.when(nt >= 4)
            def _():
                pltpu.make_async_copy(
                    pay_hbm.at[pl.ds(0, LW)], pay4.at[nslot], ssem.at[nslot]
                ).wait()

            pltpu.async_copy(pay_hbm.at[pl.ds((lo + nt) * LW, LW)],
                             pay4.at[nslot], psem.at[nslot])

        for k in range(LW // 16):
            v = idx_all[p, pl.ds(k * 16, 16)]
            loc = v - base
            ok = (loc >= 0) & (loc < CR)
            cidx4[slot, pl.ds(k * 16, 16)] = jnp.where(ok, loc, trash)

        pltpu.make_async_copy(
            pay_hbm.at[pl.ds(0, LW)], pay4.at[slot], psem.at[slot]
        ).wait()
        pltpu.async_copy(pay4.at[slot], seg_sh.at[cidx4.at[slot]],
                         ssem.at[slot], add=True)
        return carry

    lax.fori_loop(0, cnt, body, 0)
    for sl in range(4):
        @pl.when(cnt - 4 + sl >= 0)
        def _():
            pltpu.make_async_copy(
                pay_hbm.at[pl.ds(0, LW)], pay4.at[(0 + sl) % 4], ssem.at[sl]
            ).wait()
    plsc.subcore_barrier()

    def ebody(k, carry):
        b = s * (CR // NS) + k * EB
        pltpu.sync_copy(seg_sh.at[pl.ds(b, EB)], ebuf_v)
        pltpu.sync_copy(ebuf_v, seg_hbm.at[c, pl.ds(b, EB)])
        return carry

    lax.fori_loop(0, CR // NS // EB, ebody, 0)


@functools.cache
def _make_scatter():
    return pl.kernel(
        _scatter_body,
        out_type=jax.ShapeDtypeStruct((NC, CR, 128), jnp.float32),
        mesh=plsc.VectorSubcoreMesh(
            core_axis_name="c", subcore_axis_name="s", num_cores=NC, num_subcores=NS
        ),
        scratch_types=[
            pltpu.VMEM((SRT, LW), jnp.int32),
            pltpu.VMEM((4, LW), jnp.int32),
            pltpu.VMEM((4, LW, 128), jnp.float32),
            pltpu.VMEM((EB, 128), jnp.float32),
            pltpu.VMEM_SHARED((RT, 128), jnp.float32),
            pltpu.SemaphoreType.DMA((4,)),
            pltpu.SemaphoreType.DMA((4,)),
        ],
    )


def _scatter(pay, receivers, zeros_init):
    return _make_scatter()(pay, receivers, zeros_init)


def _edge_norm_body(pay, stats, w, b, out):
    st = stats[...]
    lane = lax.broadcasted_iota(jnp.int32, (1, 128), 1)
    tot = jnp.float32(E * ED)
    s1 = jnp.sum(jnp.where(lane == 0, st, 0.0))
    s2 = jnp.sum(jnp.where(lane == 1, st, 0.0))
    mean = s1 / tot
    var = jnp.maximum(s2 / tot - mean * mean, 0.0)
    inv = 1.0 / (jnp.sqrt(var) + EPS)
    ne = pay[:, 32:32 + ED]
    out[...] = (ne - mean) * inv * w[...] + b[...]


def _edge_norm(pay, stats, w, b):
    return pl.pallas_call(
        _edge_norm_body,
        grid=(E // BE,),
        in_specs=[
            pl.BlockSpec((BE, 128), lambda i: (i, 0)),
            pl.BlockSpec((1, 128), lambda i: (0, 0)),
            pl.BlockSpec((1, ED), lambda i: (0, 0)),
            pl.BlockSpec((1, ED), lambda i: (0, 0)),
        ],
        out_specs=pl.BlockSpec((BE, ED), lambda i: (i, 0)),
        out_shape=jax.ShapeDtypeStruct((E, ED), jnp.float32),
    )(pay, stats, w, b)


def _node_body(x, segp, w1a, w1b, b1, w2, b2, lw, lb, out):
    sp = segp[...]
    agg = sp[:, :ED] / jnp.maximum(sp[:, ED:ED + 1], 1.0)
    pre = (
        jnp.dot(x[...], w1a[...], preferred_element_type=jnp.float32)
        + jnp.dot(agg, w1b[...], preferred_element_type=jnp.float32)
        + b1[...]
    )
    g = pre * jax.nn.sigmoid(pre)
    u = jnp.dot(g, w2[...], preferred_element_type=jnp.float32) + b2[...]
    nx = x[...] + u
    mu = jnp.mean(nx, axis=-1, keepdims=True)
    d = nx - mu
    var = jnp.mean(d * d, axis=-1, keepdims=True)
    out[...] = d * lax.rsqrt(var + EPS) * lw[...] + lb[...]


def _node_mlp(x, segp, w1a, w1b, b1, w2, b2, lw, lb):
    return pl.pallas_call(
        _node_body,
        grid=(N // BN,),
        in_specs=[
            pl.BlockSpec((BN, ND), lambda i: (i, 0)),
            pl.BlockSpec((BN, 128), lambda i: (i, 0)),
            pl.BlockSpec((ND, H), lambda i: (0, 0)),
            pl.BlockSpec((ED, H), lambda i: (0, 0)),
            pl.BlockSpec((1, H), lambda i: (0, 0)),
            pl.BlockSpec((H, ND), lambda i: (0, 0)),
            pl.BlockSpec((1, ND), lambda i: (0, 0)),
            pl.BlockSpec((1, ND), lambda i: (0, 0)),
            pl.BlockSpec((1, ND), lambda i: (0, 0)),
        ],
        out_specs=pl.BlockSpec((BN, ND), lambda i: (i, 0)),
        out_shape=jax.ShapeDtypeStruct((N, ND), jnp.float32),
    )(x, segp, w1a, w1b, b1, w2, b2, lw, lb)


def kernel(x, edge_index, edge_attr, ew1, eb1, ew2, eb2, nw1, nb1, nw2, nb2,
           eln_w, eln_b, nln_w, nln_b):
    spread = (jnp.arange(EP - E, dtype=jnp.int32) * 131) % N
    senders_p = jnp.concatenate([edge_index[0], spread]).reshape(IRP, LW)
    receivers_p = jnp.concatenate([edge_index[1], spread]).reshape(IRP, LW)

    xs, xr = _gather(x, senders_p, receivers_p)

    bf = jnp.bfloat16
    pay, stats = _edge_mlp(
        xs, xr, edge_attr,
        ew1[:ND].astype(bf), ew1[ND:2 * ND].astype(bf), ew1[2 * ND:].astype(bf),
        eb1.reshape(1, H), ew2.astype(bf), eb2.reshape(1, ED),
    )

    zeros_init = jnp.zeros((RT, 128), dtype=jnp.float32)
    seg = _scatter(pay, receivers_p, zeros_init)
    segp = jnp.concatenate([seg[0], seg[1]], axis=0)[:N]

    new_edge_attr = _edge_norm(
        pay, stats, eln_w.reshape(1, ED), eln_b.reshape(1, ED)
    )

    new_x = _node_mlp(
        x, segp,
        nw1[:ND], nw1[ND:], nb1.reshape(1, H), nw2, nb2.reshape(1, ND),
        nln_w.reshape(1, ND), nln_b.reshape(1, ND),
    )
    return new_x, new_edge_attr

# --- scband reference (transcript-rebuilt; emitter-appended) ---
"""Pipeline reference for scband-interaction-net-layer-29300266893717 (READ-ONLY COPY).

The authoritative reference and input builder live on the scoring server;
editing this copy changes nothing except your own understanding.
"""

import jax, jax.numpy as jnp
import numpy as np

N = 10000
E = 320000
ND = 128
ED = 16
H = 512
EPS = 1e-5


def _silu(v):
    return v * jax.nn.sigmoid(v)


def setup_inputs(seed: int = 0) -> dict:
    key = jax.random.key(seed)
    ks = jax.random.split(key, 16)
    x = jax.random.normal(ks[0], (N, ND), dtype=jnp.float32)
    edge_index = jax.random.randint(ks[1], (2, E), 0, N, dtype=jnp.int32)
    edge_attr = jax.random.normal(ks[2], (E, ED), dtype=jnp.float32)
    # edge MLP params: Linear(2*ND+ED -> H), Linear(H -> ED)
    ew1 = jax.random.normal(ks[3], (2 * ND + ED, H), dtype=jnp.float32) * (1.0 / np.sqrt(2 * ND + ED))
    eb1 = jnp.zeros((H,), dtype=jnp.float32)
    ew2 = jax.random.normal(ks[4], (H, ED), dtype=jnp.float32) * (1.0 / np.sqrt(H))
    eb2 = jnp.zeros((ED,), dtype=jnp.float32)
    # node MLP params: Linear(ND+ED -> H), Linear(H -> ND)
    nw1 = jax.random.normal(ks[5], (ND + ED, H), dtype=jnp.float32) * (1.0 / np.sqrt(ND + ED))
    nb1 = jnp.zeros((H,), dtype=jnp.float32)
    nw2 = jax.random.normal(ks[6], (H, ND), dtype=jnp.float32) * (1.0 / np.sqrt(H))
    nb2 = jnp.zeros((ND,), dtype=jnp.float32)
    # PyG LayerNorm affine params
    eln_w = jnp.ones((ED,), dtype=jnp.float32)
    eln_b = jnp.zeros((ED,), dtype=jnp.float32)
    nln_w = jnp.ones((ND,), dtype=jnp.float32)
    nln_b = jnp.zeros((ND,), dtype=jnp.float32)
    return {"x": x, "edge_index": edge_index, "edge_attr": edge_attr,
            "ew1": ew1, "eb1": eb1, "ew2": ew2, "eb2": eb2,
            "nw1": nw1, "nb1": nb1, "nw2": nw2, "nb2": nb2,
            "eln_w": eln_w, "eln_b": eln_b, "nln_w": nln_w, "nln_b": nln_b}


def reference(x, edge_index, edge_attr, ew1, eb1, ew2, eb2, nw1, nb1, nw2, nb2, eln_w, eln_b, nln_w, nln_b):
    senders = edge_index[0]
    receivers = edge_index[1]
    # 1) Edge update MLP on concat(sender, receiver, edge_attr)
    edge_input = jnp.concatenate([x[senders], x[receivers], edge_attr], axis=-1)
    h = _silu(edge_input @ ew1 + eb1)
    edge_update = h @ ew2 + eb2
    # 2) scatter-mean of edge updates onto receiver nodes
    seg_sum = jax.ops.segment_sum(edge_update, receivers, num_segments=N)
    cnt = jax.ops.segment_sum(jnp.ones((E,), dtype=jnp.float32), receivers, num_segments=N)
    aggregated = seg_sum / jnp.clip(cnt, 1.0)[:, None]
    # 3) Node update MLP on concat(node, aggregated)
    node_input = jnp.concatenate([x, aggregated], axis=-1)
    g = _silu(node_input @ nw1 + nb1)
    node_update = g @ nw2 + nb2
    # 4) residuals
    new_edge_attr = edge_attr + edge_update
    new_x = x + node_update
    # PyG LayerNorm mode='graph' on edges (normalize over whole graph, eps added to std)
    ce = new_edge_attr - jnp.mean(new_edge_attr)
    std_e = jnp.sqrt(jnp.mean(ce * ce))
    new_edge_attr = ce / (std_e + EPS) * eln_w + eln_b
    # PyG LayerNorm mode='node' on nodes (standard per-row layer norm)
    mu = jnp.mean(new_x, axis=-1, keepdims=True)
    var = jnp.mean((new_x - mu) ** 2, axis=-1, keepdims=True)
    new_x = (new_x - mu) / jnp.sqrt(var + EPS) * nln_w + nln_b
    return (new_x, new_edge_attr)

if __name__ == "__main__":
    import jax
    _d = setup_inputs()
    print(jax.jit(kernel)(*tuple(_d.values())))

</pallas_src>

<mosaic_0001>
#map = affine_map<(d0, d1) -> (0, 0)>
module attributes {stable_mosaic.version = 14 : i64} {
  func.func @_gather_body(%arg0: i32, %arg1: i32, %arg2: memref<10000x128xf32, #tpu.memory_space<hbm>>, %arg3: memref<2560x128xi32, #tpu.memory_space<hbm>>, %arg4: memref<2560x128xi32, #tpu.memory_space<hbm>>, %arg5: memref<327680x128xf32, #tpu.memory_space<hbm>>, %arg6: memref<327680x128xf32, #tpu.memory_space<hbm>>, %arg7: memref<80x128xi32, #tpu.memory_space<vmem>>, %arg8: memref<80x128xi32, #tpu.memory_space<vmem>>, %arg9: memref<4x128x128xf32, #tpu.memory_space<vmem>>, %arg10: memref<4x!tpu.dma_semaphore, #tpu.memory_space<semaphore_mem>>, %arg11: memref<4x!tpu.dma_semaphore, #tpu.memory_space<semaphore_mem>>) attributes {dimension_semantics = [#tpu.dimension_semantics<core_parallel>, #tpu.dimension_semantics<subcore_parallel>], iteration_bounds = array<i64: 2, 16>, scalar_prefetch = 0 : i64, scratch_operands = 5 : i64, tpu.core_type = #tpu.core_type<sc_vector_subcore>, window_params = [{transform_indices = #map}, {transform_indices = #map}, {transform_indices = #map}, {transform_indices = #map}, {transform_indices = #map}]} {
    %mul3A = arith.constant 2 : i32
    %mul3A_0 = arith.muli %arg1, %mul3A : i32
    %add3A = arith.addi %mul3A_0, %arg0 : i32
    %mul3A_1 = arith.constant 80 : i32
    %mul3A_2 = arith.muli %add3A, %mul3A_1 : i32
    "tpu.region"() ({
      %run_scoped3A = tpu.sem_alloc : memref<!tpu.dma_semaphore, #tpu.memory_space<semaphore_mem>>
      %dma_start3A_108 = arith.constant 0 : i32
      %dma_start3A_109 = tpu.memref_slice %arg3[%mul3A_2, %dma_start3A_108] : memref<2560x128xi32, #tpu.memory_space<hbm>> -> memref<80x128xi32, #tpu.memory_space<hbm>>
      %dma_start3A_110 = arith.constant 0 : i32
      %dma_start3A_111 = tpu.memref_slice %arg3[%mul3A_2, %dma_start3A_110] : memref<2560x128xi32, #tpu.memory_space<hbm>> -> memref<80x128xi32, #tpu.memory_space<hbm>>
      tpu.enqueue_dma source(%dma_start3A_111 : memref<80x128xi32, #tpu.memory_space<hbm>>) target(%arg7 : memref<80x128xi32, #tpu.memory_space<vmem>>) target_semaphore(%run_scoped3A : memref<!tpu.dma_semaphore, #tpu.memory_space<semaphore_mem>>)
      %dma_wait3A_112 = arith.constant 0 : i32
      %dma_wait3A_113 = tpu.memref_slice %arg3[%mul3A_2, %dma_wait3A_112] : memref<2560x128xi32, #tpu.memory_space<hbm>> -> memref<80x128xi32, #tpu.memory_space<hbm>>
      %dma_wait3A_114 = arith.constant 0 : i32
      %dma_wait3A_115 = tpu.memref_slice %arg3[%mul3A_2, %dma_wait3A_114] : memref<2560x128xi32, #tpu.memory_space<hbm>> -> memref<80x128xi32, #tpu.memory_space<hbm>>
      tpu.wait_dma2 semaphore(%run_scoped3A : memref<!tpu.dma_semaphore, #tpu.memory_space<semaphore_mem>>) src(%dma_wait3A_115 : memref<80x128xi32, #tpu.memory_space<hbm>>) dst(%arg7 : memref<80x128xi32, #tpu.memory_space<vmem>>)
      tpu.yield
    }) : () -> ()
    "tpu.region"() ({
      %run_scoped3A = tpu.sem_alloc : memref<!tpu.dma_semaphore, #tpu.memory_space<semaphore_mem>>
      %dma_start3A_108 = arith.constant 0 : i32
      %dma_start3A_109 = tpu.memref_slice %arg4[%mul3A_2, %dma_start3A_108] : memref<2560x128xi32, #tpu.memory_space<hbm>> -> memref<80x128xi32, #tpu.memory_space<hbm>>
      %dma_start3A_110 = arith.constant 0 : i32
      %dma_start3A_111 = tpu.memref_slice %arg4[%mul3A_2, %dma_start3A_110] : memref<2560x128xi32, #tpu.memory_space<hbm>> -> memref<80x128xi32, #tpu.memory_space<hbm>>
      tpu.enqueue_dma source(%dma_start3A_111 : memref<80x128xi32, #tpu.memory_space<hbm>>) target(%arg8 : memref<80x128xi32, #tpu.memory_space<vmem>>) target_semaphore(%run_scoped3A : memref<!tpu.dma_semaphore, #tpu.memory_space<semaphore_mem>>)
      %dma_wait3A_112 = arith.constant 0 : i32
      %dma_wait3A_113 = tpu.memref_slice %arg4[%mul3A_2, %dma_wait3A_112] : memref<2560x128xi32, #tpu.memory_space<hbm>> -> memref<80x128xi32, #tpu.memory_space<hbm>>
      %dma_wait3A_114 = arith.constant 0 : i32
      %dma_wait3A_115 = tpu.memref_slice %arg4[%mul3A_2, %dma_wait3A_114] : memref<2560x128xi32, #tpu.memory_space<hbm>> -> memref<80x128xi32, #tpu.memory_space<hbm>>
      tpu.wait_dma2 semaphore(%run_scoped3A : memref<!tpu.dma_semaphore, #tpu.memory_space<semaphore_mem>>) src(%dma_wait3A_115 : memref<80x128xi32, #tpu.memory_space<hbm>>) dst(%arg8 : memref<80x128xi32, #tpu.memory_space<vmem>>)
      tpu.yield
    }) : () -> ()
    %dma_start3A = arith.constant 0 : i32
    %dma_start3A_3 = arith.constant 0 : i32
    %dma_start3A_4 = arith.constant 0 : i32
    %dma_start3A_5 = arith.constant 0 : i32
    %dma_start3A_6 = arith.constant 0 : i32
    %dma_start3A_7 = tpu.memref_slice %arg9[%dma_start3A_3, %dma_start3A_5, %dma_start3A_6] : memref<4x128x128xf32, #tpu.memory_space<vmem>> -> memref<1x128x128xf32, #tpu.memory_space<vmem>>
    %dma_start3A_8 = tpu.memref_squeeze %dma_start3A_7 : memref<1x128x128xf32, #tpu.memory_space<vmem>> -> memref<128x128xf32, #tpu.memory_space<vmem>>
    %dma_start3A_9 = arith.constant 0 : i32
    %dma_start3A_10 = tpu.memref_slice %arg7[%dma_start3A, %dma_start3A_9] : memref<80x128xi32, #tpu.memory_space<vmem>> -> memref<1x128xi32, #tpu.memory_space<vmem>>
    %dma_start3A_11 = tpu.memref_squeeze %dma_start3A_10 : memref<1x128xi32, #tpu.memory_space<vmem>> -> memref<128xi32, #tpu.memory_space<vmem>>
    %dma_start3A_12 = arith.constant 0 : i32
    %dma_start3A_13 = arith.constant 0 : i32
    %dma_start3A_14 = tpu.memref_slice %arg2[%dma_start3A_12, %dma_start3A_13] : memref<10000x128xf32, #tpu.memory_space<hbm>> -> memref<10000x128xf32, #tpu.memory_space<hbm>>
    %dma_start3A_15 = tpu.memref_slice %arg10[%dma_start3A_4] : memref<4x!tpu.dma_semaphore, #tpu.memory_space<semaphore_mem>> -> memref<1x!tpu.dma_semaphore, #tpu.memory_space<semaphore_mem>>
    %dma_start3A_16 = tpu.memref_squeeze %dma_start3A_15 : memref<1x!tpu.dma_semaphore, #tpu.memory_space<semaphore_mem>> -> memref<!tpu.dma_semaphore, #tpu.memory_space<semaphore_mem>>
    tpu.enqueue_indirect_dma source(%dma_start3A_14 : memref<10000x128xf32, #tpu.memory_space<hbm>>) target(%dma_start3A_8 : memref<128x128xf32, #tpu.memory_space<vmem>>) offsets(%dma_start3A_11 : memref<128xi32, #tpu.memory_space<vmem>>) semaphore(%dma_start3A_16 : memref<!tpu.dma_semaphore, #tpu.memory_space<semaphore_mem>>)
    %dma_start3A_17 = arith.constant 0 : i32
    %dma_start3A_18 = arith.constant 1 : i32
    %dma_start3A_19 = arith.constant 1 : i32
    %dma_start3A_20 = arith.constant 0 : i32
    %dma_start3A_21 = arith.constant 0 : i32
    %dma_start3A_22 = tpu.memref_slice %arg9[%dma_start3A_18, %dma_start3A_20, %dma_start3A_21] : memref<4x128x128xf32, #tpu.memory_space<vmem>> -> memref<1x128x128xf32, #tpu.memory_space<vmem>>
    %dma_start3A_23 = tpu.memref_squeeze %dma_start3A_22 : memref<1x128x128xf32, #tpu.memory_space<vmem>> -> memref<128x128xf32, #tpu.memory_space<vmem>>
    %dma_start3A_24 = arith.constant 0 : i32
    %dma_start3A_25 = tpu.memref_slice %arg8[%dma_start3A_17, %dma_start3A_24] : memref<80x128xi32, #tpu.memory_space<vmem>> -> memref<1x128xi32, #tpu.memory_space<vmem>>
    %dma_start3A_26 = tpu.memref_squeeze %dma_start3A_25 : memref<1x128xi32, #tpu.memory_space<vmem>> -> memref<128xi32, #tpu.memory_space<vmem>>
    %dma_start3A_27 = arith.constant 0 : i32
    %dma_start3A_28 = arith.constant 0 : i32
    %dma_start3A_29 = tpu.memref_slice %arg2[%dma_start3A_27, %dma_start3A_28] : memref<10000x128xf32, #tpu.memory_space<hbm>> -> memref<10000x128xf32, #tpu.memory_space<hbm>>
    %dma_start3A_30 = tpu.memref_slice %arg10[%dma_start3A_19] : memref<4x!tpu.dma_semaphore, #tpu.memory_space<semaphore_mem>> -> memref<1x!tpu.dma_semaphore, #tpu.memory_space<semaphore_mem>>
    %dma_start3A_31 = tpu.memref_squeeze %dma_start3A_30 : memref<1x!tpu.dma_semaphore, #tpu.memory_space<semaphore_mem>> -> memref<!tpu.dma_semaphore, #tpu.memory_space<semaphore_mem>>
    tpu.enqueue_indirect_dma source(%dma_start3A_29 : memref<10000x128xf32, #tpu.memory_space<hbm>>) target(%dma_start3A_23 : memref<128x128xf32, #tpu.memory_space<vmem>>) offsets(%dma_start3A_26 : memref<128xi32, #tpu.memory_space<vmem>>) semaphore(%dma_start3A_31 : memref<!tpu.dma_semaphore, #tpu.memory_space<semaphore_mem>>)
    %scan3A = arith.constant 0 : i32
    %scan3A_32 = arith.constant 0 : i32
    %scan3A_33 = arith.constant 160 : i32
    %scan3A_34 = arith.addi %scan3A_32, %scan3A_33 : i32
    %scan3A_35 = arith.constant 1 : i32
    scf.for %scan3A_108 = %scan3A_32 to %scan3A_34 step %scan3A_35  : i32 {
      %rem3A = arith.constant 4 : i32
      %rem3A_109 = arith.remsi %scan3A_108, %rem3A : i32
      %jit3A = arith.constant 2 : i32
      %div3A = arith.divsi %scan3A_108, %jit3A : i32
      %sign3A = arith.constant 0 : i32
      %sign3A_110 = arith.cmpi sgt, %scan3A_108, %sign3A : i32
      %sign3A_111 = arith.extui %sign3A_110 : i1 to i32
      %sign3A_112 = arith.constant 0 : i32
      %sign3A_113 = arith.cmpi slt, %scan3A_108, %sign3A_112 : i32
      %sign3A_114 = arith.extui %sign3A_113 : i1 to i32
      %sign3A_115 = arith.subi %sign3A_111, %sign3A_114 : i32
      %sign3A_116 = arith.constant 0 : i32
      %sign3A_117 = arith.cmpi sgt, %jit3A, %sign3A_116 : i32
      %sign3A_118 = arith.extui %sign3A_117 : i1 to i32
      %sign3A_119 = arith.constant 0 : i32
      %sign3A_120 = arith.cmpi slt, %jit3A, %sign3A_119 : i32
      %sign3A_121 = arith.extui %sign3A_120 : i1 to i32
      %sign3A_122 = arith.subi %sign3A_118, %sign3A_121 : i32
      %ne3A = arith.cmpi ne, %sign3A_115, %sign3A_122 : i32
      %rem3A_123 = arith.remsi %scan3A_108, %jit3A : i32
      %ne3A_124 = arith.constant 0 : i32
      %ne3A_125 = arith.cmpi ne, %rem3A_123, %ne3A_124 : i32
      %and3A = arith.andi %ne3A, %ne3A_125 : i1
      %sub3A = arith.constant 1 : i32
      %sub3A_126 = arith.subi %div3A, %sub3A : i32
      %select_n3A = arith.select %and3A, %sub3A_126, %div3A : i32
      %add3A_127 = arith.addi %mul3A_2, %select_n3A : i32
      %add3A_128 = arith.constant 2 : i32
      %add3A_129 = arith.addi %scan3A_108, %add3A_128 : i32
      %rem3A_130 = arith.constant 4 : i32
      %rem3A_131 = arith.remsi %add3A_129, %rem3A_130 : i32
      %lt3A = arith.constant 160 : i32
      %lt3A_132 = arith.cmpi slt, %add3A_129, %lt3A : i32
      %convert_element_type3A = arith.extui %lt3A_132 : i1 to i32
      %cond3A = arith.constant 0 : i32
      %cond3A_133 = arith.cmpi ne, %convert_element_type3A, %cond3A : i32
      scf.if %cond3A_133 {
        %ge3A = arith.constant 4 : i32
        %ge3A_163 = arith.cmpi sge, %add3A_129, %ge3A : i32
        %convert_element_type3A_164 = arith.extui %ge3A_163 : i1 to i32
        %cond3A_165 = arith.constant 0 : i32
        %cond3A_166 = arith.cmpi ne, %convert_element_type3A_164, %cond3A_165 : i32
        scf.if %cond3A_166 {
          %dma_wait3A_205 = arith.constant 0 : i32
          %dma_wait3A_206 = arith.constant 0 : i32
          %dma_wait3A_207 = tpu.memref_slice %arg9[%rem3A_131, %dma_wait3A_205, %dma_wait3A_206] : memref<4x128x128xf32, #tpu.memory_space<vmem>> -> memref<1x128x128xf32, #tpu.memory_space<vmem>>
          %dma_wait3A_208 = tpu.memref_squeeze %dma_wait3A_207 : memref<1x128x128xf32, #tpu.memory_space<vmem>> -> memref<128x128xf32, #tpu.memory_space<vmem>>
          %dma_wait3A_209 = arith.constant 0 : i32
          %dma_wait3A_210 = arith.constant 0 : i32
          %dma_wait3A_211 = tpu.memref_slice %arg2[%dma_wait3A_209, %dma_wait3A_210] : memref<10000x128xf32, #tpu.memory_space<hbm>> -> memref<128x128xf32, #tpu.memory_space<hbm>>
          %dma_wait3A_212 = tpu.memref_slice %arg11[%rem3A_131] : memref<4x!tpu.dma_semaphore, #tpu.memory_space<semaphore_mem>> -> memref<1x!tpu.dma_semaphore, #tpu.memory_space<semaphore_mem>>
          %dma_wait3A_213 = tpu.memref_squeeze %dma_wait3A_212 : memref<1x!tpu.dma_semaphore, #tpu.memory_space<semaphore_mem>> -> memref<!tpu.dma_semaphore, #tpu.memory_space<semaphore_mem>>
          %dma_wait3A_214 = arith.constant 0 : i32
          %dma_wait3A_215 = arith.constant 0 : i32
          %dma_wait3A_216 = tpu.memref_slice %arg9[%rem3A_131, %dma_wait3A_214, %dma_wait3A_215] : memref<4x128x128xf32, #tpu.memory_space<vmem>> -> memref<1x128x128xf32, #tpu.memory_space<vmem>>
          %dma_wait3A_217 = tpu.memref_squeeze %dma_wait3A_216 : memref<1x128x128xf32, #tpu.memory_space<vmem>> -> memref<128x128xf32, #tpu.memory_space<vmem>>
          %dma_wait3A_218 = arith.constant 0 : i32
          %dma_wait3A_219 = arith.constant 0 : i32
          %dma_wait3A_220 = tpu.memref_slice %arg2[%dma_wait3A_218, %dma_wait3A_219] : memref<10000x128xf32, #tpu.memory_space<hbm>> -> memref<128x128xf32, #tpu.memory_space<hbm>>
          tpu.wait_dma2 semaphore(%dma_wait3A_213 : memref<!tpu.dma_semaphore, #tpu.memory_space<semaphore_mem>>) src(%dma_wait3A_220 : memref<128x128xf32, #tpu.memory_space<hbm>>) dst(%dma_wait3A_217 : memref<128x128xf32, #tpu.memory_space<vmem>>)
        } else {
        }
        %jit3A_167 = arith.constant 2 : i32
        %div3A_168 = arith.divsi %add3A_129, %jit3A_167 : i32
        %sign3A_169 = arith.constant 0 : i32
        %sign3A_170 = arith.cmpi sgt, %add3A_129, %sign3A_169 : i32
        %sign3A_171 = arith.extui %sign3A_170 : i1 to i32
        %sign3A_172 = arith.constant 0 : i32
        %sign3A_173 = arith.cmpi slt, %add3A_129, %sign3A_172 : i32
        %sign3A_174 = arith.extui %sign3A_173 : i1 to i32
        %sign3A_175 = arith.subi %sign3A_171, %sign3A_174 : i32
        %sign3A_176 = arith.constant 0 : i32
        %sign3A_177 = arith.cmpi sgt, %jit3A_167, %sign3A_176 : i32
        %sign3A_178 = arith.extui %sign3A_177 : i1 to i32
        %sign3A_179 = arith.constant 0 : i32
        %sign3A_180 = arith.cmpi slt, %jit3A_167, %sign3A_179 : i32
        %sign3A_181 = arith.extui %sign3A_180 : i1 to i32
        %sign3A_182 = arith.subi %sign3A_178, %sign3A_181 : i32
        %ne3A_183 = arith.cmpi ne, %sign3A_175, %sign3A_182 : i32
        %rem3A_184 = arith.remsi %add3A_129, %jit3A_167 : i32
        %ne3A_185 = arith.constant 0 : i32
        %ne3A_186 = arith.cmpi ne, %rem3A_184, %ne3A_185 : i32
        %and3A_187 = arith.andi %ne3A_183, %ne3A_186 : i1
        %sub3A_188 = arith.constant 1 : i32
        %sub3A_189 = arith.subi %div3A_168, %sub3A_188 : i32
        %select_n3A_190 = arith.select %and3A_187, %sub3A_189, %div3A_168 : i32
        %rem3A_191 = arith.constant 2 : i32
        %rem3A_192 = arith.remsi %add3A_129, %rem3A_191 : i32
        %eq3A_193 = arith.constant 0 : i32
        %eq3A_194 = arith.cmpi eq, %rem3A_192, %eq3A_193 : i32
        %convert_element_type3A_195 = arith.extui %eq3A_194 : i1 to i32
        %cond3A_196 = arith.constant 0 : i32
        %cond3A_197 = arith.cmpi ne, %convert_element_type3A_195, %cond3A_196 : i32
        scf.if %cond3A_197 {
          %dma_start3A_205 = arith.constant 0 : i32
          %dma_start3A_206 = arith.constant 0 : i32
          %dma_start3A_207 = tpu.memref_slice %arg9[%rem3A_131, %dma_start3A_205, %dma_start3A_206] : memref<4x128x128xf32, #tpu.memory_space<vmem>> -> memref<1x128x128xf32, #tpu.memory_space<vmem>>
          %dma_start3A_208 = tpu.memref_squeeze %dma_start3A_207 : memref<1x128x128xf32, #tpu.memory_space<vmem>> -> memref<128x128xf32, #tpu.memory_space<vmem>>
          %dma_start3A_209 = arith.constant 0 : i32
          %dma_start3A_210 = tpu.memref_slice %arg7[%select_n3A_190, %dma_start3A_209] : memref<80x128xi32, #tpu.memory_space<vmem>> -> memref<1x128xi32, #tpu.memory_space<vmem>>
          %dma_start3A_211 = tpu.memref_squeeze %dma_start3A_210 : memref<1x128xi32, #tpu.memory_space<vmem>> -> memref<128xi32, #tpu.memory_space<vmem>>
          %dma_start3A_212 = arith.constant 0 : i32
          %dma_start3A_213 = arith.constant 0 : i32
          %dma_start3A_214 = tpu.memref_slice %arg2[%dma_start3A_212, %dma_start3A_213] : memref<10000x128xf32, #tpu.memory_space<hbm>> -> memref<10000x128xf32, #tpu.memory_space<hbm>>
          %dma_start3A_215 = tpu.memref_slice %arg10[%rem3A_131] : memref<4x!tpu.dma_semaphore, #tpu.memory_space<semaphore_mem>> -> memref<1x!tpu.dma_semaphore, #tpu.memory_space<semaphore_mem>>
          %dma_start3A_216 = tpu.memref_squeeze %dma_start3A_215 : memref<1x!tpu.dma_semaphore, #tpu.memory_space<semaphore_mem>> -> memref<!tpu.dma_semaphore, #tpu.memory_space<semaphore_mem>>
          tpu.enqueue_indirect_dma source(%dma_start3A_214 : memref<10000x128xf32, #tpu.memory_space<hbm>>) target(%dma_start3A_208 : memref<128x128xf32, #tpu.memory_space<vmem>>) offsets(%dma_start3A_211 : memref<128xi32, #tpu.memory_space<vmem>>) semaphore(%dma_start3A_216 : memref<!tpu.dma_semaphore, #tpu.memory_space<semaphore_mem>>)
        } else {
        }
        %rem3A_198 = arith.constant 2 : i32
        %rem3A_199 = arith.remsi %add3A_129, %rem3A_198 : i32
        %eq3A_200 = arith.constant 1 : i32
        %eq3A_201 = arith.cmpi eq, %rem3A_199, %eq3A_200 : i32
        %convert_element_type3A_202 = arith.extui %eq3A_201 : i1 to i32
        %cond3A_203 = arith.constant 0 : i32
        %cond3A_204 = arith.cmpi ne, %convert_element_type3A_202, %cond3A_203 : i32
        scf.if %cond3A_204 {
          %dma_start3A_205 = arith.constant 0 : i32
          %dma_start3A_206 = arith.constant 0 : i32
          %dma_start3A_207 = tpu.memref_slice %arg9[%rem3A_131, %dma_start3A_205, %dma_start3A_206] : memref<4x128x128xf32, #tpu.memory_space<vmem>> -> memref<1x128x128xf32, #tpu.memory_space<vmem>>
          %dma_start3A_208 = tpu.memref_squeeze %dma_start3A_207 : memref<1x128x128xf32, #tpu.memory_space<vmem>> -> memref<128x128xf32, #tpu.memory_space<vmem>>
          %dma_start3A_209 = arith.constant 0 : i32
          %dma_start3A_210 = tpu.memref_slice %arg8[%select_n3A_190, %dma_start3A_209] : memref<80x128xi32, #tpu.memory_space<vmem>> -> memref<1x128xi32, #tpu.memory_space<vmem>>
          %dma_start3A_211 = tpu.memref_squeeze %dma_start3A_210 : memref<1x128xi32, #tpu.memory_space<vmem>> -> memref<128xi32, #tpu.memory_space<vmem>>
          %dma_start3A_212 = arith.constant 0 : i32
          %dma_start3A_213 = arith.constant 0 : i32
          %dma_start3A_214 = tpu.memref_slice %arg2[%dma_start3A_212, %dma_start3A_213] : memref<10000x128xf32, #tpu.memory_space<hbm>> -> memref<10000x128xf32, #tpu.memory_space<hbm>>
          %dma_start3A_215 = tpu.memref_slice %arg10[%rem3A_131] : memref<4x!tpu.dma_semaphore, #tpu.memory_space<semaphore_mem>> -> memref<1x!tpu.dma_semaphore, #tpu.memory_space<semaphore_mem>>
          %dma_start3A_216 = tpu.memref_squeeze %dma_start3A_215 : memref<1x!tpu.dma_semaphore, #tpu.memory_space<semaphore_mem>> -> memref<!tpu.dma_semaphore, #tpu.memory_space<semaphore_mem>>
          tpu.enqueue_indirect_dma source(%dma_start3A_214 : memref<10000x128xf32, #tpu.memory_space<hbm>>) target(%dma_start3A_208 : memref<128x128xf32, #tpu.memory_space<vmem>>) offsets(%dma_start3A_211 : memref<128xi32, #tpu.memory_space<vmem>>) semaphore(%dma_start3A_216 : memref<!tpu.dma_semaphore, #tpu.memory_space<semaphore_mem>>)
        } else {
        }
      } else {
      }
      %dma_wait3A_134 = arith.constant 0 : i32
      %dma_wait3A_135 = arith.constant 0 : i32
      %dma_wait3A_136 = tpu.memref_slice %arg9[%rem3A_109, %dma_wait3A_134, %dma_wait3A_135] : memref<4x128x128xf32, #tpu.memory_space<vmem>> -> memref<1x128x128xf32, #tpu.memory_space<vmem>>
      %dma_wait3A_137 = tpu.memref_squeeze %dma_wait3A_136 : memref<1x128x128xf32, #tpu.memory_space<vmem>> -> memref<128x128xf32, #tpu.memory_space<vmem>>
      %dma_wait3A_138 = arith.constant 0 : i32
      %dma_wait3A_139 = arith.constant 0 : i32
      %dma_wait3A_140 = tpu.memref_slice %arg2[%dma_wait3A_138, %dma_wait3A_139] : memref<10000x128xf32, #tpu.memory_space<hbm>> -> memref<128x128xf32, #tpu.memory_space<hbm>>
      %dma_wait3A_141 = tpu.memref_slice %arg10[%rem3A_109] : memref<4x!tpu.dma_semaphore, #tpu.memory_space<semaphore_mem>> -> memref<1x!tpu.dma_semaphore, #tpu.memory_space<semaphore_mem>>
      %dma_wait3A_142 = tpu.memref_squeeze %dma_wait3A_141 : memref<1x!tpu.dma_semaphore, #tpu.memory_space<semaphore_mem>> -> memref<!tpu.dma_semaphore, #tpu.memory_space<semaphore_mem>>
      %dma_wait3A_143 = arith.constant 0 : i32
      %dma_wait3A_144 = arith.constant 0 : i32
      %dma_wait3A_145 = tpu.memref_slice %arg9[%rem3A_109, %dma_wait3A_143, %dma_wait3A_144] : memref<4x128x128xf32, #tpu.memory_space<vmem>> -> memref<1x128x128xf32, #tpu.memory_space<vmem>>
      %dma_wait3A_146 = tpu.memref_squeeze %dma_wait3A_145 : memref<1x128x128xf32, #tpu.memory_space<vmem>> -> memref<128x128xf32, #tpu.memory_space<vmem>>
      %dma_wait3A_147 = arith.constant 0 : i32
      %dma_wait3A_148 = arith.constant 0 : i32
      %dma_wait3A_149 = tpu.memref_slice %arg2[%dma_wait3A_147, %dma_wait3A_148] : memref<10000x128xf32, #tpu.memory_space<hbm>> -> memref<128x128xf32, #tpu.memory_space<hbm>>
      tpu.wait_dma2 semaphore(%dma_wait3A_142 : memref<!tpu.dma_semaphore, #tpu.memory_space<semaphore_mem>>) src(%dma_wait3A_149 : memref<128x128xf32, #tpu.memory_space<hbm>>) dst(%dma_wait3A_146 : memref<128x128xf32, #tpu.memory_space<vmem>>)
      %rem3A_150 = arith.constant 2 : i32
      %rem3A_151 = arith.remsi %scan3A_108, %rem3A_150 : i32
      %eq3A = arith.constant 0 : i32
      %eq3A_152 = arith.cmpi eq, %rem3A_151, %eq3A : i32
      %convert_element_type3A_153 = arith.extui %eq3A_152 : i1 to i32
      %cond3A_154 = arith.constant 0 : i32
      %cond3A_155 = arith.cmpi ne, %convert_element_type3A_153, %cond3A_154 : i32
      scf.if %cond3A_155 {
        %mul3A_163 = arith.constant 128 : i32
        %mul3A_164 = arith.muli %add3A_127, %mul3A_163 : i32
        %dma_start3A_165 = arith.constant 0 : i32
        %dma_start3A_166 = arith.constant 0 : i32
        %dma_start3A_167 = tpu.memref_slice %arg9[%rem3A_109, %dma_start3A_165, %dma_start3A_166] : memref<4x128x128xf32, #tpu.memory_space<vmem>> -> memref<1x128x128xf32, #tpu.memory_space<vmem>>
        %dma_start3A_168 = tpu.memref_squeeze %dma_start3A_167 : memref<1x128x128xf32, #tpu.memory_space<vmem>> -> memref<128x128xf32, #tpu.memory_space<vmem>>
        %dma_start3A_169 = arith.constant 0 : i32
        %dma_start3A_170 = tpu.memref_slice %arg5[%mul3A_164, %dma_start3A_169] : memref<327680x128xf32, #tpu.memory_space<hbm>> -> memref<128x128xf32, #tpu.memory_space<hbm>>
        %dma_start3A_171 = tpu.memref_slice %arg11[%rem3A_109] : memref<4x!tpu.dma_semaphore, #tpu.memory_space<semaphore_mem>> -> memref<1x!tpu.dma_semaphore, #tpu.memory_space<semaphore_mem>>
        %dma_start3A_172 = tpu.memref_squeeze %dma_start3A_171 : memref<1x!tpu.dma_semaphore, #tpu.memory_space<semaphore_mem>> -> memref<!tpu.dma_semaphore, #tpu.memory_space<semaphore_mem>>
        %dma_start3A_173 = arith.constant 0 : i32
        %dma_start3A_174 = tpu.memref_slice %arg5[%mul3A_164, %dma_start3A_173] : memref<327680x128xf32, #tpu.memory_space<hbm>> -> memref<128x128xf32, #tpu.memory_space<hbm>>
        %dma_start3A_175 = arith.constant 0 : i32
        %dma_start3A_176 = arith.constant 0 : i32
        %dma_start3A_177 = tpu.memref_slice %arg9[%rem3A_109, %dma_start3A_175, %dma_start3A_176] : memref<4x128x128xf32, #tpu.memory_space<vmem>> -> memref<1x128x128xf32, #tpu.memory_space<vmem>>
        %dma_start3A_178 = tpu.memref_squeeze %dma_start3A_177 : memref<1x128x128xf32, #tpu.memory_space<vmem>> -> memref<128x128xf32, #tpu.memory_space<vmem>>
        tpu.enqueue_dma source(%dma_start3A_178 : memref<128x128xf32, #tpu.memory_space<vmem>>) target(%dma_start3A_174 : memref<128x128xf32, #tpu.memory_space<hbm>>) target_semaphore(%dma_start3A_172 : memref<!tpu.dma_semaphore, #tpu.memory_space<semaphore_mem>>)
      } else {
      }
      %rem3A_156 = arith.constant 2 : i32
      %rem3A_157 = arith.remsi %scan3A_108, %rem3A_156 : i32
      %eq3A_158 = arith.constant 1 : i32
      %eq3A_159 = arith.cmpi eq, %rem3A_157, %eq3A_158 : i32
      %convert_element_type3A_160 = arith.extui %eq3A_159 : i1 to i32
      %cond3A_161 = arith.constant 0 : i32
      %cond3A_162 = arith.cmpi ne, %convert_element_type3A_160, %cond3A_161 : i32
      scf.if %cond3A_162 {
        %mul3A_163 = arith.constant 128 : i32
        %mul3A_164 = arith.muli %add3A_127, %mul3A_163 : i32
        %dma_start3A_165 = arith.constant 0 : i32
        %dma_start3A_166 = arith.constant 0 : i32
        %dma_start3A_167 = tpu.memref_slice %arg9[%rem3A_109, %dma_start3A_165, %dma_start3A_166] : memref<4x128x128xf32, #tpu.memory_space<vmem>> -> memref<1x128x128xf32, #tpu.memory_space<vmem>>
        %dma_start3A_168 = tpu.memref_squeeze %dma_start3A_167 : memref<1x128x128xf32, #tpu.memory_space<vmem>> -> memref<128x128xf32, #tpu.memory_space<vmem>>
        %dma_start3A_169 = arith.constant 0 : i32
        %dma_start3A_170 = tpu.memref_slice %arg6[%mul3A_164, %dma_start3A_169] : memref<327680x128xf32, #tpu.memory_space<hbm>> -> memref<128x128xf32, #tpu.memory_space<hbm>>
        %dma_start3A_171 = tpu.memref_slice %arg11[%rem3A_109] : memref<4x!tpu.dma_semaphore, #tpu.memory_space<semaphore_mem>> -> memref<1x!tpu.dma_semaphore, #tpu.memory_space<semaphore_mem>>
        %dma_start3A_172 = tpu.memref_squeeze %dma_start3A_171 : memref<1x!tpu.dma_semaphore, #tpu.memory_space<semaphore_mem>> -> memref<!tpu.dma_semaphore, #tpu.memory_space<semaphore_mem>>
        %dma_start3A_173 = arith.constant 0 : i32
        %dma_start3A_174 = tpu.memref_slice %arg6[%mul3A_164, %dma_start3A_173] : memref<327680x128xf32, #tpu.memory_space<hbm>> -> memref<128x128xf32, #tpu.memory_space<hbm>>
        %dma_start3A_175 = arith.constant 0 : i32
        %dma_start3A_176 = arith.constant 0 : i32
        %dma_start3A_177 = tpu.memref_slice %arg9[%rem3A_109, %dma_start3A_175, %dma_start3A_176] : memref<4x128x128xf32, #tpu.memory_space<vmem>> -> memref<1x128x128xf32, #tpu.memory_space<vmem>>
        %dma_start3A_178 = tpu.memref_squeeze %dma_start3A_177 : memref<1x128x128xf32, #tpu.memory_space<vmem>> -> memref<128x128xf32, #tpu.memory_space<vmem>>
        tpu.enqueue_dma source(%dma_start3A_178 : memref<128x128xf32, #tpu.memory_space<vmem>>) target(%dma_start3A_174 : memref<128x128xf32, #tpu.memory_space<hbm>>) target_semaphore(%dma_start3A_172 : memref<!tpu.dma_semaphore, #tpu.memory_space<semaphore_mem>>)
      } else {
      }
    }
    %scan3A_36 = arith.constant 160 : i32
    %dma_wait3A = arith.constant 0 : i32
    %dma_wait3A_37 = arith.constant 0 : i32
    %dma_wait3A_38 = arith.constant 0 : i32
    %dma_wait3A_39 = arith.constant 0 : i32
    %dma_wait3A_40 = tpu.memref_slice %arg9[%dma_wait3A, %dma_wait3A_38, %dma_wait3A_39] : memref<4x128x128xf32, #tpu.memory_space<vmem>> -> memref<1x128x128xf32, #tpu.memory_space<vmem>>
    %dma_wait3A_41 = tpu.memref_squeeze %dma_wait3A_40 : memref<1x128x128xf32, #tpu.memory_space<vmem>> -> memref<128x128xf32, #tpu.memory_space<vmem>>
    %dma_wait3A_42 = arith.constant 0 : i32
    %dma_wait3A_43 = arith.constant 0 : i32
    %dma_wait3A_44 = tpu.memref_slice %arg2[%dma_wait3A_42, %dma_wait3A_43] : memref<10000x128xf32, #tpu.memory_space<hbm>> -> memref<128x128xf32, #tpu.memory_space<hbm>>
    %dma_wait3A_45 = tpu.memref_slice %arg11[%dma_wait3A_37] : memref<4x!tpu.dma_semaphore, #tpu.memory_space<semaphore_mem>> -> memref<1x!tpu.dma_semaphore, #tpu.memory_space<semaphore_mem>>
    %dma_wait3A_46 = tpu.memref_squeeze %dma_wait3A_45 : memref<1x!tpu.dma_semaphore, #tpu.memory_space<semaphore_mem>> -> memref<!tpu.dma_semaphore, #tpu.memory_space<semaphore_mem>>
    %dma_wait3A_47 = arith.constant 0 : i32
    %dma_wait3A_48 = arith.constant 0 : i32
    %dma_wait3A_49 = tpu.memref_slice %arg9[%dma_wait3A, %dma_wait3A_47, %dma_wait3A_48] : memref<4x128x128xf32, #tpu.memory_space<vmem>> -> memref<1x128x128xf32, #tpu.memory_space<vmem>>
    %dma_wait3A_50 = tpu.memref_squeeze %dma_wait3A_49 : memref<1x128x128xf32, #tpu.memory_space<vmem>> -> memref<128x128xf32, #tpu.memory_space<vmem>>
    %dma_wait3A_51 = arith.constant 0 : i32
    %dma_wait3A_52 = arith.constant 0 : i32
    %dma_wait3A_53 = tpu.memref_slice %arg2[%dma_wait3A_51, %dma_wait3A_52] : memref<10000x128xf32, #tpu.memory_space<hbm>> -> memref<128x128xf32, #tpu.memory_space<hbm>>
    tpu.wait_dma2 semaphore(%dma_wait3A_46 : memref<!tpu.dma_semaphore, #tpu.memory_space<semaphore_mem>>) src(%dma_wait3A_53 : memref<128x128xf32, #tpu.memory_space<hbm>>) dst(%dma_wait3A_50 : memref<128x128xf32, #tpu.memory_space<vmem>>)
    %dma_wait3A_54 = arith.constant 1 : i32
    %dma_wait3A_55 = arith.constant 1 : i32
    %dma_wait3A_56 = arith.constant 0 : i32
    %dma_wait3A_57 = arith.constant 0 : i32
    %dma_wait3A_58 = tpu.memref_slice %arg9[%dma_wait3A_54, %dma_wait3A_56, %dma_wait3A_57] : memref<4x128x128xf32, #tpu.memory_space<vmem>> -> memref<1x128x128xf32, #tpu.memory_space<vmem>>
    %dma_wait3A_59 = tpu.memref_squeeze %dma_wait3A_58 : memref<1x128x128xf32, #tpu.memory_space<vmem>> -> memref<128x128xf32, #tpu.memory_space<vmem>>
    %dma_wait3A_60 = arith.constant 0 : i32
    %dma_wait3A_61 = arith.constant 0 : i32
    %dma_wait3A_62 = tpu.memref_slice %arg2[%dma_wait3A_60, %dma_wait3A_61] : memref<10000x128xf32, #tpu.memory_space<hbm>> -> memref<128x128xf32, #tpu.memory_space<hbm>>
    %dma_wait3A_63 = tpu.memref_slice %arg11[%dma_wait3A_55] : memref<4x!tpu.dma_semaphore, #tpu.memory_space<semaphore_mem>> -> memref<1x!tpu.dma_semaphore, #tpu.memory_space<semaphore_mem>>
    %dma_wait3A_64 = tpu.memref_squeeze %dma_wait3A_63 : memref<1x!tpu.dma_semaphore, #tpu.memory_space<semaphore_mem>> -> memref<!tpu.dma_semaphore, #tpu.memory_space<semaphore_mem>>
    %dma_wait3A_65 = arith.constant 0 : i32
    %dma_wait3A_66 = arith.constant 0 : i32
    %dma_wait3A_67 = tpu.memref_slice %arg9[%dma_wait3A_54, %dma_wait3A_65, %dma_wait3A_66] : memref<4x128x128xf32, #tpu.memory_space<vmem>> -> memref<1x128x128xf32, #tpu.memory_space<vmem>>
    %dma_wait3A_68 = tpu.memref_squeeze %dma_wait3A_67 : memref<1x128x128xf32, #tpu.memory_space<vmem>> -> memref<128x128xf32, #tpu.memory_space<vmem>>
    %dma_wait3A_69 = arith.constant 0 : i32
    %dma_wait3A_70 = arith.constant 0 : i32
    %dma_wait3A_71 = tpu.memref_slice %arg2[%dma_wait3A_69, %dma_wait3A_70] : memref<10000x128xf32, #tpu.memory_space<hbm>> -> memref<128x128xf32, #tpu.memory_space<hbm>>
    tpu.wait_dma2 semaphore(%dma_wait3A_64 : memref<!tpu.dma_semaphore, #tpu.memory_space<semaphore_mem>>) src(%dma_wait3A_71 : memref<128x128xf32, #tpu.memory_space<hbm>>) dst(%dma_wait3A_68 : memref<128x128xf32, #tpu.memory_space<vmem>>)
    %dma_wait3A_72 = arith.constant 2 : i32
    %dma_wait3A_73 = arith.constant 2 : i32
    %dma_wait3A_74 = arith.constant 0 : i32
    %dma_wait3A_75 = arith.constant 0 : i32
    %dma_wait3A_76 = tpu.memref_slice %arg9[%dma_wait3A_72, %dma_wait3A_74, %dma_wait3A_75] : memref<4x128x128xf32, #tpu.memory_space<vmem>> -> memref<1x128x128xf32, #tpu.memory_space<vmem>>
    %dma_wait3A_77 = tpu.memref_squeeze %dma_wait3A_76 : memref<1x128x128xf32, #tpu.memory_space<vmem>> -> memref<128x128xf32, #tpu.memory_space<vmem>>
    %dma_wait3A_78 = arith.constant 0 : i32
    %dma_wait3A_79 = arith.constant 0 : i32
    %dma_wait3A_80 = tpu.memref_slice %arg2[%dma_wait3A_78, %dma_wait3A_79] : memref<10000x128xf32, #tpu.memory_space<hbm>> -> memref<128x128xf32, #tpu.memory_space<hbm>>
    %dma_wait3A_81 = tpu.memref_slice %arg11[%dma_wait3A_73] : memref<4x!tpu.dma_semaphore, #tpu.memory_space<semaphore_mem>> -> memref<1x!tpu.dma_semaphore, #tpu.memory_space<semaphore_mem>>
    %dma_wait3A_82 = tpu.memref_squeeze %dma_wait3A_81 : memref<1x!tpu.dma_semaphore, #tpu.memory_space<semaphore_mem>> -> memref<!tpu.dma_semaphore, #tpu.memory_space<semaphore_mem>>
    %dma_wait3A_83 = arith.constant 0 : i32
    %dma_wait3A_84 = arith.constant 0 : i32
    %dma_wait3A_85 = tpu.memref_slice %arg9[%dma_wait3A_72, %dma_wait3A_83, %dma_wait3A_84] : memref<4x128x128xf32, #tpu.memory_space<vmem>> -> memref<1x128x128xf32, #tpu.memory_space<vmem>>
    %dma_wait3A_86 = tpu.memref_squeeze %dma_wait3A_85 : memref<1x128x128xf32, #tpu.memory_space<vmem>> -> memref<128x128xf32, #tpu.memory_space<vmem>>
    %dma_wait3A_87 = arith.constant 0 : i32
    %dma_wait3A_88 = arith.constant 0 : i32
    %dma_wait3A_89 = tpu.memref_slice %arg2[%dma_wait3A_87, %dma_wait3A_88] : memref<10000x128xf32, #tpu.memory_space<hbm>> -> memref<128x128xf32, #tpu.memory_space<hbm>>
    tpu.wait_dma2 semaphore(%dma_wait3A_82 : memref<!tpu.dma_semaphore, #tpu.memory_space<semaphore_mem>>) src(%dma_wait3A_89 : memref<128x128xf32, #tpu.memory_space<hbm>>) dst(%dma_wait3A_86 : memref<128x128xf32, #tpu.memory_space<vmem>>)
    %dma_wait3A_90 = arith.constant 3 : i32
    %dma_wait3A_91 = arith.constant 3 : i32
    %dma_wait3A_92 = arith.constant 0 : i32
    %dma_wait3A_93 = arith.constant 0 : i32
    %dma_wait3A_94 = tpu.memref_slice %arg9[%dma_wait3A_90, %dma_wait3A_92, %dma_wait3A_93] : memref<4x128x128xf32, #tpu.memory_space<vmem>> -> memref<1x128x128xf32, #tpu.memory_space<vmem>>
    %dma_wait3A_95 = tpu.memref_squeeze %dma_wait3A_94 : memref<1x128x128xf32, #tpu.memory_space<vmem>> -> memref<128x128xf32, #tpu.memory_space<vmem>>
    %dma_wait3A_96 = arith.constant 0 : i32
    %dma_wait3A_97 = arith.constant 0 : i32
    %dma_wait3A_98 = tpu.memref_slice %arg2[%dma_wait3A_96, %dma_wait3A_97] : memref<10000x128xf32, #tpu.memory_space<hbm>> -> memref<128x128xf32, #tpu.memory_space<hbm>>
    %dma_wait3A_99 = tpu.memref_slice %arg11[%dma_wait3A_91] : memref<4x!tpu.dma_semaphore, #tpu.memory_space<semaphore_mem>> -> memref<1x!tpu.dma_semaphore, #tpu.memory_space<semaphore_mem>>
    %dma_wait3A_100 = tpu.memref_squeeze %dma_wait3A_99 : memref<1x!tpu.dma_semaphore, #tpu.memory_space<semaphore_mem>> -> memref<!tpu.dma_semaphore, #tpu.memory_space<semaphore_mem>>
    %dma_wait3A_101 = arith.constant 0 : i32
    %dma_wait3A_102 = arith.constant 0 : i32
    %dma_wait3A_103 = tpu.memref_slice %arg9[%dma_wait3A_90, %dma_wait3A_101, %dma_wait3A_102] : memref<4x128x128xf32, #tpu.memory_space<vmem>> -> memref<1x128x128xf32, #tpu.memory_space<vmem>>
    %dma_wait3A_104 = tpu.memref_squeeze %dma_wait3A_103 : memref<1x128x128xf32, #tpu.memory_space<vmem>> -> memref<128x128xf32, #tpu.memory_space<vmem>>
    %dma_wait3A_105 = arith.constant 0 : i32
    %dma_wait3A_106 = arith.constant 0 : i32
    %dma_wait3A_107 = tpu.memref_slice %arg2[%dma_wait3A_105, %dma_wait3A_106] : memref<10000x128xf32, #tpu.memory_space<hbm>> -> memref<128x128xf32, #tpu.memory_space<hbm>>
    tpu.wait_dma2 semaphore(%dma_wait3A_100 : memref<!tpu.dma_semaphore, #tpu.memory_space<semaphore_mem>>) src(%dma_wait3A_107 : memref<128x128xf32, #tpu.memory_space<hbm>>) dst(%dma_wait3A_104 : memref<128x128xf32, #tpu.memory_space<vmem>>)
    return
  }
}

#map = affine_map<(d0, d1) -> (0, 0)>
#map1 = affine_map<(d0, d1) -> (0, 0, 0)>
module attributes {stable_mosaic.version = 14 : i64} {
  func.func @_scatter_body(%arg0: i32, %arg1: i32, %arg2: memref<320000x128xf32, #tpu.memory_space<hbm>>, %arg3: memref<2560x128xi32, #tpu.memory_space<hbm>>, %arg4: memref<5136x128xf32, #tpu.memory_space<hbm>>, %arg5: memref<2x5120x128xf32, #tpu.memory_space<hbm>>, %arg6: memref<160x128xi32, #tpu.memory_space<vmem>>, %arg7: memref<4x128xi32, #tpu.memory_space<vmem>>, %arg8: memref<4x128x128xf32, #tpu.memory_space<vmem>>, %arg9: memref<16x128xf32, #tpu.memory_space<vmem>>, %arg10: memref<5136x128xf32, #tpu.memory_space<vmem_shared>>, %arg11: memref<4x!tpu.dma_semaphore, #tpu.memory_space<semaphore_mem>>, %arg12: memref<4x!tpu.dma_semaphore, #tpu.memory_space<semaphore_mem>>) attributes {dimension_semantics = [#tpu.dimension_semantics<core_parallel>, #tpu.dimension_semantics<subcore_parallel>], iteration_bounds = array<i64: 2, 16>, scalar_prefetch = 0 : i64, scratch_operands = 7 : i64, tpu.core_type = #tpu.core_type<sc_vector_subcore>, window_params = [{transform_indices = #map}, {transform_indices = #map}, {transform_indices = #map}, {transform_indices = #map1}]} {
    %mul3A = arith.constant 5120 : i32
    %mul3A_0 = arith.muli %arg0, %mul3A : i32
    %add3A = arith.constant 5120 : i32
    %add3A_1 = arith.addi %add3A, %arg1 : i32
    %eq3A = arith.constant 0 : i32
    %eq3A_2 = arith.cmpi eq, %arg1, %eq3A : i32
    %convert_element_type3A = arith.extui %eq3A_2 : i1 to i32
    %cond3A = arith.constant 0 : i32
    %cond3A_3 = arith.cmpi ne, %convert_element_type3A, %cond3A : i32
    scf.if %cond3A_3 {
      "tpu.region"() ({
        %run_scoped3A = tpu.sem_alloc : memref<!tpu.dma_semaphore, #tpu.memory_space<semaphore_mem>>
        tpu.enqueue_dma source(%arg4 : memref<5136x128xf32, #tpu.memory_space<hbm>>) target(%arg10 : memref<5136x128xf32, #tpu.memory_space<vmem_shared>>) target_semaphore(%run_scoped3A : memref<!tpu.dma_semaphore, #tpu.memory_space<semaphore_mem>>)
        tpu.wait_dma2 semaphore(%run_scoped3A : memref<!tpu.dma_semaphore, #tpu.memory_space<semaphore_mem>>) src(%arg4 : memref<5136x128xf32, #tpu.memory_space<hbm>>) dst(%arg10 : memref<5136x128xf32, #tpu.memory_space<vmem_shared>>)
        tpu.yield
      }) : () -> ()
    } else {
    }
    %mul3A_4 = arith.constant 160 : i32
    %mul3A_5 = arith.muli %arg1, %mul3A_4 : i32
    %lt3A = arith.constant 15 : i32
    %lt3A_6 = arith.cmpi slt, %arg1, %lt3A : i32
    %jit3A = arith.constant 160 : i32
    %jit3A_7 = arith.constant 100 : i32
    %select_n3A = arith.select %lt3A_6, %jit3A, %jit3A_7 : i32
    "tpu.region"() ({
      %run_scoped3A = tpu.sem_alloc : memref<!tpu.dma_semaphore, #tpu.memory_space<semaphore_mem>>
      %dma_start3A_94 = arith.constant 0 : i32
      %dma_start3A_95 = tpu.memref_slice %arg3[%mul3A_5, %dma_start3A_94] : memref<2560x128xi32, #tpu.memory_space<hbm>> -> memref<160x128xi32, #tpu.memory_space<hbm>>
      %dma_start3A_96 = arith.constant 0 : i32
      %dma_start3A_97 = tpu.memref_slice %arg3[%mul3A_5, %dma_start3A_96] : memref<2560x128xi32, #tpu.memory_space<hbm>> -> memref<160x128xi32, #tpu.memory_space<hbm>>
      tpu.enqueue_dma source(%dma_start3A_97 : memref<160x128xi32, #tpu.memory_space<hbm>>) target(%arg6 : memref<160x128xi32, #tpu.memory_space<vmem>>) target_semaphore(%run_scoped3A : memref<!tpu.dma_semaphore, #tpu.memory_space<semaphore_mem>>)
      %dma_wait3A = arith.constant 0 : i32
      %dma_wait3A_98 = tpu.memref_slice %arg3[%mul3A_5, %dma_wait3A] : memref<2560x128xi32, #tpu.memory_space<hbm>> -> memref<160x128xi32, #tpu.memory_space<hbm>>
      %dma_wait3A_99 = arith.constant 0 : i32
      %dma_wait3A_100 = tpu.memref_slice %arg3[%mul3A_5, %dma_wait3A_99] : memref<2560x128xi32, #tpu.memory_space<hbm>> -> memref<160x128xi32, #tpu.memory_space<hbm>>
      tpu.wait_dma2 semaphore(%run_scoped3A : memref<!tpu.dma_semaphore, #tpu.memory_space<semaphore_mem>>) src(%dma_wait3A_100 : memref<160x128xi32, #tpu.memory_space<hbm>>) dst(%arg6 : memref<160x128xi32, #tpu.memory_space<vmem>>)
      tpu.yield
    }) : () -> ()
    %barrier3A = arith.constant 0 : index
    tpu.barrier barrier_id(%barrier3A)
    %mul3A_8 = arith.constant 128 : i32
    %mul3A_9 = arith.muli %mul3A_5, %mul3A_8 : i32
    %dma_start3A = arith.constant 0 : i32
    %dma_start3A_10 = arith.constant 0 : i32
    %dma_start3A_11 = arith.constant 0 : i32
    %dma_start3A_12 = arith.constant 0 : i32
    %dma_start3A_13 = tpu.memref_slice %arg8[%dma_start3A, %dma_start3A_11, %dma_start3A_12] : memref<4x128x128xf32, #tpu.memory_space<vmem>> -> memref<1x128x128xf32, #tpu.memory_space<vmem>>
    %dma_start3A_14 = tpu.memref_squeeze %dma_start3A_13 : memref<1x128x128xf32, #tpu.memory_space<vmem>> -> memref<128x128xf32, #tpu.memory_space<vmem>>
    %dma_start3A_15 = arith.constant 0 : i32
    %dma_start3A_16 = tpu.memref_slice %arg2[%mul3A_9, %dma_start3A_15] : memref<320000x128xf32, #tpu.memory_space<hbm>> -> memref<128x128xf32, #tpu.memory_space<hbm>>
    %dma_start3A_17 = tpu.memref_slice %arg11[%dma_start3A_10] : memref<4x!tpu.dma_semaphore, #tpu.memory_space<semaphore_mem>> -> memref<1x!tpu.dma_semaphore, #tpu.memory_space<semaphore_mem>>
    %dma_start3A_18 = tpu.memref_squeeze %dma_start3A_17 : memref<1x!tpu.dma_semaphore, #tpu.memory_space<semaphore_mem>> -> memref<!tpu.dma_semaphore, #tpu.memory_space<semaphore_mem>>
    %dma_start3A_19 = arith.constant 0 : i32
    %dma_start3A_20 = arith.constant 0 : i32
    %dma_start3A_21 = tpu.memref_slice %arg8[%dma_start3A, %dma_start3A_19, %dma_start3A_20] : memref<4x128x128xf32, #tpu.memory_space<vmem>> -> memref<1x128x128xf32, #tpu.memory_space<vmem>>
    %dma_start3A_22 = tpu.memref_squeeze %dma_start3A_21 : memref<1x128x128xf32, #tpu.memory_space<vmem>> -> memref<128x128xf32, #tpu.memory_space<vmem>>
    %dma_start3A_23 = arith.constant 0 : i32
    %dma_start3A_24 = tpu.memref_slice %arg2[%mul3A_9, %dma_start3A_23] : memref<320000x128xf32, #tpu.memory_space<hbm>> -> memref<128x128xf32, #tpu.memory_space<hbm>>
    tpu.enqueue_dma source(%dma_start3A_24 : memref<128x128xf32, #tpu.memory_space<hbm>>) target(%dma_start3A_22 : memref<128x128xf32, #tpu.memory_space<vmem>>) target_semaphore(%dma_start3A_18 : memref<!tpu.dma_semaphore, #tpu.memory_space<semaphore_mem>>)
    %add3A_25 = arith.constant 1 : i32
    %add3A_26 = arith.addi %mul3A_5, %add3A_25 : i32
    %mul3A_27 = arith.constant 128 : i32
    %mul3A_28 = arith.muli %add3A_26, %mul3A_27 : i32
    %dma_start3A_29 = arith.constant 1 : i32
    %dma_start3A_30 = arith.constant 1 : i32
    %dma_start3A_31 = arith.constant 0 : i32
    %dma_start3A_32 = arith.constant 0 : i32
    %dma_start3A_33 = tpu.memref_slice %arg8[%dma_start3A_29, %dma_start3A_31, %dma_start3A_32] : memref<4x128x128xf32, #tpu.memory_space<vmem>> -> memref<1x128x128xf32, #tpu.memory_space<vmem>>
    %dma_start3A_34 = tpu.memref_squeeze %dma_start3A_33 : memref<1x128x128xf32, #tpu.memory_space<vmem>> -> memref<128x128xf32, #tpu.memory_space<vmem>>
    %dma_start3A_35 = arith.constant 0 : i32
    %dma_start3A_36 = tpu.memref_slice %arg2[%mul3A_28, %dma_start3A_35] : memref<320000x128xf32, #tpu.memory_space<hbm>> -> memref<128x128xf32, #tpu.memory_space<hbm>>
    %dma_start3A_37 = tpu.memref_slice %arg11[%dma_start3A_30] : memref<4x!tpu.dma_semaphore, #tpu.memory_space<semaphore_mem>> -> memref<1x!tpu.dma_semaphore, #tpu.memory_space<semaphore_mem>>
    %dma_start3A_38 = tpu.memref_squeeze %dma_start3A_37 : memref<1x!tpu.dma_semaphore, #tpu.memory_space<semaphore_mem>> -> memref<!tpu.dma_semaphore, #tpu.memory_space<semaphore_mem>>
    %dma_start3A_39 = arith.constant 0 : i32
    %dma_start3A_40 = arith.constant 0 : i32
    %dma_start3A_41 = tpu.memref_slice %arg8[%dma_start3A_29, %dma_start3A_39, %dma_start3A_40] : memref<4x128x128xf32, #tpu.memory_space<vmem>> -> memref<1x128x128xf32, #tpu.memory_space<vmem>>
    %dma_start3A_42 = tpu.memref_squeeze %dma_start3A_41 : memref<1x128x128xf32, #tpu.memory_space<vmem>> -> memref<128x128xf32, #tpu.memory_space<vmem>>
    %dma_start3A_43 = arith.constant 0 : i32
    %dma_start3A_44 = tpu.memref_slice %arg2[%mul3A_28, %dma_start3A_43] : memref<320000x128xf32, #tpu.memory_space<hbm>> -> memref<128x128xf32, #tpu.memory_space<hbm>>
    tpu.enqueue_dma source(%dma_start3A_44 : memref<128x128xf32, #tpu.memory_space<hbm>>) target(%dma_start3A_42 : memref<128x128xf32, #tpu.memory_space<vmem>>) target_semaphore(%dma_start3A_38 : memref<!tpu.dma_semaphore, #tpu.memory_space<semaphore_mem>>)
    %while3A = arith.constant 0 : i32
    %while3A_45 = arith.constant 0 : i32
    %while3A_46 = arith.subi %select_n3A, %while3A_45 : i32
    %while3A_47 = arith.addi %while3A_45, %while3A_46 : i32
    %while3A_48 = arith.constant 1 : i32
    %while3A_49 = arith.divsi %while3A_46, %while3A_48 : i32
    %while3A_50 = arith.muli %while3A_49, %while3A_48 : i32
    %while3A_51 = arith.addi %while3A_45, %while3A_50 : i32
    %while3A_52 = arith.constant 1 : i32
    scf.for %while3A_94 = %while3A_45 to %while3A_51 step %while3A_52  : i32 {
      %rem3A = arith.constant 4 : i32
      %rem3A_95 = arith.remsi %while3A_94, %rem3A : i32
      %add3A_96 = arith.constant 2 : i32
      %add3A_97 = arith.addi %while3A_94, %add3A_96 : i32
      %rem3A_98 = arith.constant 4 : i32
      %rem3A_99 = arith.remsi %add3A_97, %rem3A_98 : i32
      %lt3A_100 = arith.cmpi slt, %add3A_97, %select_n3A : i32
      %convert_element_type3A_101 = arith.extui %lt3A_100 : i1 to i32
      %cond3A_102 = arith.constant 0 : i32
      %cond3A_103 = arith.cmpi ne, %convert_element_type3A_101, %cond3A_102 : i32
      scf.if %cond3A_103 {
        %ge3A_287 = arith.constant 4 : i32
        %ge3A_288 = arith.cmpi sge, %add3A_97, %ge3A_287 : i32
        %convert_element_type3A_289 = arith.extui %ge3A_288 : i1 to i32
        %cond3A_290 = arith.constant 0 : i32
        %cond3A_291 = arith.cmpi ne, %convert_element_type3A_289, %cond3A_290 : i32
        scf.if %cond3A_291 {
          %dma_wait3A_309 = arith.constant 0 : i32
          %dma_wait3A_310 = arith.constant 0 : i32
          %dma_wait3A_311 = tpu.memref_slice %arg8[%rem3A_99, %dma_wait3A_309, %dma_wait3A_310] : memref<4x128x128xf32, #tpu.memory_space<vmem>> -> memref<1x128x128xf32, #tpu.memory_space<vmem>>
          %dma_wait3A_312 = tpu.memref_squeeze %dma_wait3A_311 : memref<1x128x128xf32, #tpu.memory_space<vmem>> -> memref<128x128xf32, #tpu.memory_space<vmem>>
          %dma_wait3A_313 = arith.constant 0 : i32
          %dma_wait3A_314 = arith.constant 0 : i32
          %dma_wait3A_315 = tpu.memref_slice %arg2[%dma_wait3A_313, %dma_wait3A_314] : memref<320000x128xf32, #tpu.memory_space<hbm>> -> memref<128x128xf32, #tpu.memory_space<hbm>>
          %dma_wait3A_316 = tpu.memref_slice %arg12[%rem3A_99] : memref<4x!tpu.dma_semaphore, #tpu.memory_space<semaphore_mem>> -> memref<1x!tpu.dma_semaphore, #tpu.memory_space<semaphore_mem>>
          %dma_wait3A_317 = tpu.memref_squeeze %dma_wait3A_316 : memref<1x!tpu.dma_semaphore, #tpu.memory_space<semaphore_mem>> -> memref<!tpu.dma_semaphore, #tpu.memory_space<semaphore_mem>>
          %dma_wait3A_318 = arith.constant 0 : i32
          %dma_wait3A_319 = arith.constant 0 : i32
          %dma_wait3A_320 = tpu.memref_slice %arg8[%rem3A_99, %dma_wait3A_318, %dma_wait3A_319] : memref<4x128x128xf32, #tpu.memory_space<vmem>> -> memref<1x128x128xf32, #tpu.memory_space<vmem>>
          %dma_wait3A_321 = tpu.memref_squeeze %dma_wait3A_320 : memref<1x128x128xf32, #tpu.memory_space<vmem>> -> memref<128x128xf32, #tpu.memory_space<vmem>>
          %dma_wait3A_322 = arith.constant 0 : i32
          %dma_wait3A_323 = arith.constant 0 : i32
          %dma_wait3A_324 = tpu.memref_slice %arg2[%dma_wait3A_322, %dma_wait3A_323] : memref<320000x128xf32, #tpu.memory_space<hbm>> -> memref<128x128xf32, #tpu.memory_space<hbm>>
          tpu.wait_dma2 semaphore(%dma_wait3A_317 : memref<!tpu.dma_semaphore, #tpu.memory_space<semaphore_mem>>) src(%dma_wait3A_324 : memref<128x128xf32, #tpu.memory_space<hbm>>) dst(%dma_wait3A_321 : memref<128x128xf32, #tpu.memory_space<vmem>>)
        } else {
        }
        %add3A_292 = arith.addi %mul3A_5, %add3A_97 : i32
        %mul3A_293 = arith.constant 128 : i32
        %mul3A_294 = arith.muli %add3A_292, %mul3A_293 : i32
        %dma_start3A_295 = arith.constant 0 : i32
        %dma_start3A_296 = arith.constant 0 : i32
        %dma_start3A_297 = tpu.memref_slice %arg8[%rem3A_99, %dma_start3A_295, %dma_start3A_296] : memref<4x128x128xf32, #tpu.memory_space<vmem>> -> memref<1x128x128xf32, #tpu.memory_space<vmem>>
        %dma_start3A_298 = tpu.memref_squeeze %dma_start3A_297 : memref<1x128x128xf32, #tpu.memory_space<vmem>> -> memref<128x128xf32, #tpu.memory_space<vmem>>
        %dma_start3A_299 = arith.constant 0 : i32
        %dma_start3A_300 = tpu.memref_slice %arg2[%mul3A_294, %dma_start3A_299] : memref<320000x128xf32, #tpu.memory_space<hbm>> -> memref<128x128xf32, #tpu.memory_space<hbm>>
        %dma_start3A_301 = tpu.memref_slice %arg11[%rem3A_99] : memref<4x!tpu.dma_semaphore, #tpu.memory_space<semaphore_mem>> -> memref<1x!tpu.dma_semaphore, #tpu.memory_space<semaphore_mem>>
        %dma_start3A_302 = tpu.memref_squeeze %dma_start3A_301 : memref<1x!tpu.dma_semaphore, #tpu.memory_space<semaphore_mem>> -> memref<!tpu.dma_semaphore, #tpu.memory_space<semaphore_mem>>
        %dma_start3A_303 = arith.constant 0 : i32
        %dma_start3A_304 = arith.constant 0 : i32
        %dma_start3A_305 = tpu.memref_slice %arg8[%rem3A_99, %dma_start3A_303, %dma_start3A_304] : memref<4x128x128xf32, #tpu.memory_space<vmem>> -> memref<1x128x128xf32, #tpu.memory_space<vmem>>
        %dma_start3A_306 = tpu.memref_squeeze %dma_start3A_305 : memref<1x128x128xf32, #tpu.memory_space<vmem>> -> memref<128x128xf32, #tpu.memory_space<vmem>>
        %dma_start3A_307 = arith.constant 0 : i32
        %dma_start3A_308 = tpu.memref_slice %arg2[%mul3A_294, %dma_start3A_307] : memref<320000x128xf32, #tpu.memory_space<hbm>> -> memref<128x128xf32, #tpu.memory_space<hbm>>
        tpu.enqueue_dma source(%dma_start3A_308 : memref<128x128xf32, #tpu.memory_space<hbm>>) target(%dma_start3A_306 : memref<128x128xf32, #tpu.memory_space<vmem>>) target_semaphore(%dma_start3A_302 : memref<!tpu.dma_semaphore, #tpu.memory_space<semaphore_mem>>)
      } else {
      }
      %get3A = arith.index_cast %while3A_94 : i32 to index
      %get3A_104 = arith.constant 0 : index
      %get3A_105 = tpu.vector_load %arg6[%get3A, %get3A_104] {strides = array<i32>} : memref<160x128xi32, #tpu.memory_space<vmem>>, vector<1x16xi32>,
      %get3A_106 = vector.shape_cast %get3A_105 : vector<1x16xi32> to vector<16xi32>
      %sub3A_107 = vector.broadcast %mul3A_0 : i32 to vector<16xi32>
      %sub3A_108 = arith.subi %get3A_106, %sub3A_107 : vector<16xi32>
      %ge3A_109 = arith.constant 0 : i32
      %ge3A_110 = vector.broadcast %ge3A_109 : i32 to vector<16xi32>
      %ge3A_111 = arith.cmpi sge, %sub3A_108, %ge3A_110 : vector<16xi32>
      %lt3A_112 = arith.constant 5120 : i32
      %lt3A_113 = vector.broadcast %lt3A_112 : i32 to vector<16xi32>
      %lt3A_114 = arith.cmpi slt, %sub3A_108, %lt3A_113 : vector<16xi32>
      %and3A = arith.andi %ge3A_111, %lt3A_114 : vector<16xi1>
      %broadcast_in_dim3A = vector.broadcast %add3A_1 : i32 to vector<16xi32>
      %select_n3A_115 = arith.select %and3A, %sub3A_108, %broadcast_in_dim3A : vector<16xi1>, vector<16xi32>
      %swap3A = arith.index_cast %rem3A_95 : i32 to index
      %swap3A_116 = arith.constant 0 : index
      %swap3A_117 = tpu.vector_load %arg7[%swap3A, %swap3A_116] {strides = array<i32>} : memref<4x128xi32, #tpu.memory_space<vmem>>, vector<1x16xi32>,
      %swap3A_118 = vector.shape_cast %swap3A_117 : vector<1x16xi32> to vector<16xi32>
      %swap3A_119 = vector.shape_cast %select_n3A_115 : vector<16xi32> to vector<1x16xi32>
      tpu.vector_store %arg7[%swap3A, %swap3A_116], %swap3A_119 {strides = array<i32>} : memref<4x128xi32, #tpu.memory_space<vmem>>, vector<1x16xi32>,
      %get3A_120 = arith.index_cast %while3A_94 : i32 to index
      %get3A_121 = arith.constant 16 : index
      %get3A_122 = tpu.vector_load %arg6[%get3A_120, %get3A_121] {strides = array<i32>} : memref<160x128xi32, #tpu.memory_space<vmem>>, vector<1x16xi32>,
      %get3A_123 = vector.shape_cast %get3A_122 : vector<1x16xi32> to vector<16xi32>
      %sub3A_124 = vector.broadcast %mul3A_0 : i32 to vector<16xi32>
      %sub3A_125 = arith.subi %get3A_123, %sub3A_124 : vector<16xi32>
      %ge3A_126 = arith.constant 0 : i32
      %ge3A_127 = vector.broadcast %ge3A_126 : i32 to vector<16xi32>
      %ge3A_128 = arith.cmpi sge, %sub3A_125, %ge3A_127 : vector<16xi32>
      %lt3A_129 = arith.constant 5120 : i32
      %lt3A_130 = vector.broadcast %lt3A_129 : i32 to vector<16xi32>
      %lt3A_131 = arith.cmpi slt, %sub3A_125, %lt3A_130 : vector<16xi32>
      %and3A_132 = arith.andi %ge3A_128, %lt3A_131 : vector<16xi1>
      %broadcast_in_dim3A_133 = vector.broadcast %add3A_1 : i32 to vector<16xi32>
      %select_n3A_134 = arith.select %and3A_132, %sub3A_125, %broadcast_in_dim3A_133 : vector<16xi1>, vector<16xi32>
      %swap3A_135 = arith.index_cast %rem3A_95 : i32 to index
      %swap3A_136 = arith.constant 16 : index
      %swap3A_137 = tpu.vector_load %arg7[%swap3A_135, %swap3A_136] {strides = array<i32>} : memref<4x128xi32, #tpu.memory_space<vmem>>, vector<1x16xi32>,
      %swap3A_138 = vector.shape_cast %swap3A_137 : vector<1x16xi32> to vector<16xi32>
      %swap3A_139 = vector.shape_cast %select_n3A_134 : vector<16xi32> to vector<1x16xi32>
      tpu.vector_store %arg7[%swap3A_135, %swap3A_136], %swap3A_139 {strides = array<i32>} : memref<4x128xi32, #tpu.memory_space<vmem>>, vector<1x16xi32>,
      %get3A_140 = arith.index_cast %while3A_94 : i32 to index
      %get3A_141 = arith.constant 32 : index
      %get3A_142 = tpu.vector_load %arg6[%get3A_140, %get3A_141] {strides = array<i32>} : memref<160x128xi32, #tpu.memory_space<vmem>>, vector<1x16xi32>,
      %get3A_143 = vector.shape_cast %get3A_142 : vector<1x16xi32> to vector<16xi32>
      %sub3A_144 = vector.broadcast %mul3A_0 : i32 to vector<16xi32>
      %sub3A_145 = arith.subi %get3A_143, %sub3A_144 : vector<16xi32>
      %ge3A_146 = arith.constant 0 : i32
      %ge3A_147 = vector.broadcast %ge3A_146 : i32 to vector<16xi32>
      %ge3A_148 = arith.cmpi sge, %sub3A_145, %ge3A_147 : vector<16xi32>
      %lt3A_149 = arith.constant 5120 : i32
      %lt3A_150 = vector.broadcast %lt3A_149 : i32 to vector<16xi32>
      %lt3A_151 = arith.cmpi slt, %sub3A_145, %lt3A_150 : vector<16xi32>
      %and3A_152 = arith.andi %ge3A_148, %lt3A_151 : vector<16xi1>
      %broadcast_in_dim3A_153 = vector.broadcast %add3A_1 : i32 to vector<16xi32>
      %select_n3A_154 = arith.select %and3A_152, %sub3A_145, %broadcast_in_dim3A_153 : vector<16xi1>, vector<16xi32>
      %swap3A_155 = arith.index_cast %rem3A_95 : i32 to index
      %swap3A_156 = arith.constant 32 : index
      %swap3A_157 = tpu.vector_load %arg7[%swap3A_155, %swap3A_156] {strides = array<i32>} : memref<4x128xi32, #tpu.memory_space<vmem>>, vector<1x16xi32>,
      %swap3A_158 = vector.shape_cast %swap3A_157 : vector<1x16xi32> to vector<16xi32>
      %swap3A_159 = vector.shape_cast %select_n3A_154 : vector<16xi32> to vector<1x16xi32>
      tpu.vector_store %arg7[%swap3A_155, %swap3A_156], %swap3A_159 {strides = array<i32>} : memref<4x128xi32, #tpu.memory_space<vmem>>, vector<1x16xi32>,
      %get3A_160 = arith.index_cast %while3A_94 : i32 to index
      %get3A_161 = arith.constant 48 : index
      %get3A_162 = tpu.vector_load %arg6[%get3A_160, %get3A_161] {strides = array<i32>} : memref<160x128xi32, #tpu.memory_space<vmem>>, vector<1x16xi32>,
      %get3A_163 = vector.shape_cast %get3A_162 : vector<1x16xi32> to vector<16xi32>
      %sub3A_164 = vector.broadcast %mul3A_0 : i32 to vector<16xi32>
      %sub3A_165 = arith.subi %get3A_163, %sub3A_164 : vector<16xi32>
      %ge3A_166 = arith.constant 0 : i32
      %ge3A_167 = vector.broadcast %ge3A_166 : i32 to vector<16xi32>
      %ge3A_168 = arith.cmpi sge, %sub3A_165, %ge3A_167 : vector<16xi32>
      %lt3A_169 = arith.constant 5120 : i32
      %lt3A_170 = vector.broadcast %lt3A_169 : i32 to vector<16xi32>
      %lt3A_171 = arith.cmpi slt, %sub3A_165, %lt3A_170 : vector<16xi32>
      %and3A_172 = arith.andi %ge3A_168, %lt3A_171 : vector<16xi1>
      %broadcast_in_dim3A_173 = vector.broadcast %add3A_1 : i32 to vector<16xi32>
      %select_n3A_174 = arith.select %and3A_172, %sub3A_165, %broadcast_in_dim3A_173 : vector<16xi1>, vector<16xi32>
      %swap3A_175 = arith.index_cast %rem3A_95 : i32 to index
      %swap3A_176 = arith.constant 48 : index
      %swap3A_177 = tpu.vector_load %arg7[%swap3A_175, %swap3A_176] {strides = array<i32>} : memref<4x128xi32, #tpu.memory_space<vmem>>, vector<1x16xi32>,
      %swap3A_178 = vector.shape_cast %swap3A_177 : vector<1x16xi32> to vector<16xi32>
      %swap3A_179 = vector.shape_cast %select_n3A_174 : vector<16xi32> to vector<1x16xi32>
      tpu.vector_store %arg7[%swap3A_175, %swap3A_176], %swap3A_179 {strides = array<i32>} : memref<4x128xi32, #tpu.memory_space<vmem>>, vector<1x16xi32>,
      %get3A_180 = arith.index_cast %while3A_94 : i32 to index
      %get3A_181 = arith.constant 64 : index
      %get3A_182 = tpu.vector_load %arg6[%get3A_180, %get3A_181] {strides = array<i32>} : memref<160x128xi32, #tpu.memory_space<vmem>>, vector<1x16xi32>,
      %get3A_183 = vector.shape_cast %get3A_182 : vector<1x16xi32> to vector<16xi32>
      %sub3A_184 = vector.broadcast %mul3A_0 : i32 to vector<16xi32>
      %sub3A_185 = arith.subi %get3A_183, %sub3A_184 : vector<16xi32>
      %ge3A_186 = arith.constant 0 : i32
      %ge3A_187 = vector.broadcast %ge3A_186 : i32 to vector<16xi32>
      %ge3A_188 = arith.cmpi sge, %sub3A_185, %ge3A_187 : vector<16xi32>
      %lt3A_189 = arith.constant 5120 : i32
      %lt3A_190 = vector.broadcast %lt3A_189 : i32 to vector<16xi32>
      %lt3A_191 = arith.cmpi slt, %sub3A_185, %lt3A_190 : vector<16xi32>
      %and3A_192 = arith.andi %ge3A_188, %lt3A_191 : vector<16xi1>
      %broadcast_in_dim3A_193 = vector.broadcast %add3A_1 : i32 to vector<16xi32>
      %select_n3A_194 = arith.select %and3A_192, %sub3A_185, %broadcast_in_dim3A_193 : vector<16xi1>, vector<16xi32>
      %swap3A_195 = arith.index_cast %rem3A_95 : i32 to index
      %swap3A_196 = arith.constant 64 : index
      %swap3A_197 = tpu.vector_load %arg7[%swap3A_195, %swap3A_196] {strides = array<i32>} : memref<4x128xi32, #tpu.memory_space<vmem>>, vector<1x16xi32>,
      %swap3A_198 = vector.shape_cast %swap3A_197 : vector<1x16xi32> to vector<16xi32>
      %swap3A_199 = vector.shape_cast %select_n3A_194 : vector<16xi32> to vector<1x16xi32>
      tpu.vector_store %arg7[%swap3A_195, %swap3A_196], %swap3A_199 {strides = array<i32>} : memref<4x128xi32, #tpu.memory_space<vmem>>, vector<1x16xi32>,
      %get3A_200 = arith.index_cast %while3A_94 : i32 to index
      %get3A_201 = arith.constant 80 : index
      %get3A_202 = tpu.vector_load %arg6[%get3A_200, %get3A_201] {strides = array<i32>} : memref<160x128xi32, #tpu.memory_space<vmem>>, vector<1x16xi32>,
      %get3A_203 = vector.shape_cast %get3A_202 : vector<1x16xi32> to vector<16xi32>
      %sub3A_204 = vector.broadcast %mul3A_0 : i32 to vector<16xi32>
      %sub3A_205 = arith.subi %get3A_203, %sub3A_204 : vector<16xi32>
      %ge3A_206 = arith.constant 0 : i32
      %ge3A_207 = vector.broadcast %ge3A_206 : i32 to vector<16xi32>
      %ge3A_208 = arith.cmpi sge, %sub3A_205, %ge3A_207 : vector<16xi32>
      %lt3A_209 = arith.constant 5120 : i32
      %lt3A_210 = vector.broadcast %lt3A_209 : i32 to vector<16xi32>
      %lt3A_211 = arith.cmpi slt, %sub3A_205, %lt3A_210 : vector<16xi32>
      %and3A_212 = arith.andi %ge3A_208, %lt3A_211 : vector<16xi1>
      %broadcast_in_dim3A_213 = vector.broadcast %add3A_1 : i32 to vector<16xi32>
      %select_n3A_214 = arith.select %and3A_212, %sub3A_205, %broadcast_in_dim3A_213 : vector<16xi1>, vector<16xi32>
      %swap3A_215 = arith.index_cast %rem3A_95 : i32 to index
      %swap3A_216 = arith.constant 80 : index
      %swap3A_217 = tpu.vector_load %arg7[%swap3A_215, %swap3A_216] {strides = array<i32>} : memref<4x128xi32, #tpu.memory_space<vmem>>, vector<1x16xi32>,
      %swap3A_218 = vector.shape_cast %swap3A_217 : vector<1x16xi32> to vector<16xi32>
      %swap3A_219 = vector.shape_cast %select_n3A_214 : vector<16xi32> to vector<1x16xi32>
      tpu.vector_store %arg7[%swap3A_215, %swap3A_216], %swap3A_219 {strides = array<i32>} : memref<4x128xi32, #tpu.memory_space<vmem>>, vector<1x16xi32>,
      %get3A_220 = arith.index_cast %while3A_94 : i32 to index
      %get3A_221 = arith.constant 96 : index
      %get3A_222 = tpu.vector_load %arg6[%get3A_220, %get3A_221] {strides = array<i32>} : memref<160x128xi32, #tpu.memory_space<vmem>>, vector<1x16xi32>,
      %get3A_223 = vector.shape_cast %get3A_222 : vector<1x16xi32> to vector<16xi32>
      %sub3A_224 = vector.broadcast %mul3A_0 : i32 to vector<16xi32>
      %sub3A_225 = arith.subi %get3A_223, %sub3A_224 : vector<16xi32>
      %ge3A_226 = arith.constant 0 : i32
      %ge3A_227 = vector.broadcast %ge3A_226 : i32 to vector<16xi32>
      %ge3A_228 = arith.cmpi sge, %sub3A_225, %ge3A_227 : vector<16xi32>
      %lt3A_229 = arith.constant 5120 : i32
      %lt3A_230 = vector.broadcast %lt3A_229 : i32 to vector<16xi32>
      %lt3A_231 = arith.cmpi slt, %sub3A_225, %lt3A_230 : vector<16xi32>
      %and3A_232 = arith.andi %ge3A_228, %lt3A_231 : vector<16xi1>
      %broadcast_in_dim3A_233 = vector.broadcast %add3A_1 : i32 to vector<16xi32>
      %select_n3A_234 = arith.select %and3A_232, %sub3A_225, %broadcast_in_dim3A_233 : vector<16xi1>, vector<16xi32>
      %swap3A_235 = arith.index_cast %rem3A_95 : i32 to index
      %swap3A_236 = arith.constant 96 : index
      %swap3A_237 = tpu.vector_load %arg7[%swap3A_235, %swap3A_236] {strides = array<i32>} : memref<4x128xi32, #tpu.memory_space<vmem>>, vector<1x16xi32>,
      %swap3A_238 = vector.shape_cast %swap3A_237 : vector<1x16xi32> to vector<16xi32>
      %swap3A_239 = vector.shape_cast %select_n3A_234 : vector<16xi32> to vector<1x16xi32>
      tpu.vector_store %arg7[%swap3A_235, %swap3A_236], %swap3A_239 {strides = array<i32>} : memref<4x128xi32, #tpu.memory_space<vmem>>, vector<1x16xi32>,
      %get3A_240 = arith.index_cast %while3A_94 : i32 to index
      %get3A_241 = arith.constant 112 : index
      %get3A_242 = tpu.vector_load %arg6[%get3A_240, %get3A_241] {strides = array<i32>} : memref<160x128xi32, #tpu.memory_space<vmem>>, vector<1x16xi32>,
      %get3A_243 = vector.shape_cast %get3A_242 : vector<1x16xi32> to vector<16xi32>
      %sub3A_244 = vector.broadcast %mul3A_0 : i32 to vector<16xi32>
      %sub3A_245 = arith.subi %get3A_243, %sub3A_244 : vector<16xi32>
      %ge3A_246 = arith.constant 0 : i32
      %ge3A_247 = vector.broadcast %ge3A_246 : i32 to vector<16xi32>
      %ge3A_248 = arith.cmpi sge, %sub3A_245, %ge3A_247 : vector<16xi32>
      %lt3A_249 = arith.constant 5120 : i32
      %lt3A_250 = vector.broadcast %lt3A_249 : i32 to vector<16xi32>
      %lt3A_251 = arith.cmpi slt, %sub3A_245, %lt3A_250 : vector<16xi32>
      %and3A_252 = arith.andi %ge3A_248, %lt3A_251 : vector<16xi1>
      %broadcast_in_dim3A_253 = vector.broadcast %add3A_1 : i32 to vector<16xi32>
      %select_n3A_254 = arith.select %and3A_252, %sub3A_245, %broadcast_in_dim3A_253 : vector<16xi1>, vector<16xi32>
      %swap3A_255 = arith.index_cast %rem3A_95 : i32 to index
      %swap3A_256 = arith.constant 112 : index
      %swap3A_257 = tpu.vector_load %arg7[%swap3A_255, %swap3A_256] {strides = array<i32>} : memref<4x128xi32, #tpu.memory_space<vmem>>, vector<1x16xi32>,
      %swap3A_258 = vector.shape_cast %swap3A_257 : vector<1x16xi32> to vector<16xi32>
      %swap3A_259 = vector.shape_cast %select_n3A_254 : vector<16xi32> to vector<1x16xi32>
      tpu.vector_store %arg7[%swap3A_255, %swap3A_256], %swap3A_259 {strides = array<i32>} : memref<4x128xi32, #tpu.memory_space<vmem>>, vector<1x16xi32>,
      %dma_wait3A = arith.constant 0 : i32
      %dma_wait3A_260 = arith.constant 0 : i32
      %dma_wait3A_261 = tpu.memref_slice %arg8[%rem3A_95, %dma_wait3A, %dma_wait3A_260] : memref<4x128x128xf32, #tpu.memory_space<vmem>> -> memref<1x128x128xf32, #tpu.memory_space<vmem>>
      %dma_wait3A_262 = tpu.memref_squeeze %dma_wait3A_261 : memref<1x128x128xf32, #tpu.memory_space<vmem>> -> memref<128x128xf32, #tpu.memory_space<vmem>>
      %dma_wait3A_263 = arith.constant 0 : i32
      %dma_wait3A_264 = arith.constant 0 : i32
      %dma_wait3A_265 = tpu.memref_slice %arg2[%dma_wait3A_263, %dma_wait3A_264] : memref<320000x128xf32, #tpu.memory_space<hbm>> -> memref<128x128xf32, #tpu.memory_space<hbm>>
      %dma_wait3A_266 = tpu.memref_slice %arg11[%rem3A_95] : memref<4x!tpu.dma_semaphore, #tpu.memory_space<semaphore_mem>> -> memref<1x!tpu.dma_semaphore, #tpu.memory_space<semaphore_mem>>
      %dma_wait3A_267 = tpu.memref_squeeze %dma_wait3A_266 : memref<1x!tpu.dma_semaphore, #tpu.memory_space<semaphore_mem>> -> memref<!tpu.dma_semaphore, #tpu.memory_space<semaphore_mem>>
      %dma_wait3A_268 = arith.constant 0 : i32
      %dma_wait3A_269 = arith.constant 0 : i32
      %dma_wait3A_270 = tpu.memref_slice %arg8[%rem3A_95, %dma_wait3A_268, %dma_wait3A_269] : memref<4x128x128xf32, #tpu.memory_space<vmem>> -> memref<1x128x128xf32, #tpu.memory_space<vmem>>
      %dma_wait3A_271 = tpu.memref_squeeze %dma_wait3A_270 : memref<1x128x128xf32, #tpu.memory_space<vmem>> -> memref<128x128xf32, #tpu.memory_space<vmem>>
      %dma_wait3A_272 = arith.constant 0 : i32
      %dma_wait3A_273 = arith.constant 0 : i32
      %dma_wait3A_274 = tpu.memref_slice %arg2[%dma_wait3A_272, %dma_wait3A_273] : memref<320000x128xf32, #tpu.memory_space<hbm>> -> memref<128x128xf32, #tpu.memory_space<hbm>>
      tpu.wait_dma2 semaphore(%dma_wait3A_267 : memref<!tpu.dma_semaphore, #tpu.memory_space<semaphore_mem>>) src(%dma_wait3A_274 : memref<128x128xf32, #tpu.memory_space<hbm>>) dst(%dma_wait3A_271 : memref<128x128xf32, #tpu.memory_space<vmem>>)
      %dma_start3A_275 = arith.constant 0 : i32
      %dma_start3A_276 = arith.constant 0 : i32
      %dma_start3A_277 = tpu.memref_slice %arg8[%rem3A_95, %dma_start3A_275, %dma_start3A_276] : memref<4x128x128xf32, #tpu.memory_space<vmem>> -> memref<1x128x128xf32, #tpu.memory_space<vmem>>
      %dma_start3A_278 = tpu.memref_squeeze %dma_start3A_277 : memref<1x128x128xf32, #tpu.memory_space<vmem>> -> memref<128x128xf32, #tpu.memory_space<vmem>>
      %dma_start3A_279 = arith.constant 0 : i32
      %dma_start3A_280 = tpu.memref_slice %arg7[%rem3A_95, %dma_start3A_279] : memref<4x128xi32, #tpu.memory_space<vmem>> -> memref<1x128xi32, #tpu.memory_space<vmem>>
      %dma_start3A_281 = tpu.memref_squeeze %dma_start3A_280 : memref<1x128xi32, #tpu.memory_space<vmem>> -> memref<128xi32, #tpu.memory_space<vmem>>
      %dma_start3A_282 = arith.constant 0 : i32
      %dma_start3A_283 = arith.constant 0 : i32
      %dma_start3A_284 = tpu.memref_slice %arg10[%dma_start3A_282, %dma_start3A_283] : memref<5136x128xf32, #tpu.memory_space<vmem_shared>> -> memref<5136x128xf32, #tpu.memory_space<vmem_shared>>
      %dma_start3A_285 = tpu.memref_slice %arg12[%rem3A_95] : memref<4x!tpu.dma_semaphore, #tpu.memory_space<semaphore_mem>> -> memref<1x!tpu.dma_semaphore, #tpu.memory_space<semaphore_mem>>
      %dma_start3A_286 = tpu.memref_squeeze %dma_start3A_285 : memref<1x!tpu.dma_semaphore, #tpu.memory_space<semaphore_mem>> -> memref<!tpu.dma_semaphore, #tpu.memory_space<semaphore_mem>>
      tpu.enqueue_indirect_dma source(%dma_start3A_278 : memref<128x128xf32, #tpu.memory_space<vmem>>) target(%dma_start3A_284 : memref<5136x128xf32, #tpu.memory_space<vmem_shared>>) offsets(%dma_start3A_281 : memref<128xi32, #tpu.memory_space<vmem>>) semaphore(%dma_start3A_286 : memref<!tpu.dma_semaphore, #tpu.memory_space<semaphore_mem>>) {add = true}
    }
    %while3A_53 = arith.constant 1 : i32
    scf.for %while3A_94 = %while3A_51 to %while3A_47 step %while3A_53  : i32 {
      %rem3A = arith.constant 4 : i32
      %rem3A_95 = arith.remsi %while3A_94, %rem3A : i32
      %add3A_96 = arith.constant 2 : i32
      %add3A_97 = arith.addi %while3A_94, %add3A_96 : i32
      %rem3A_98 = arith.constant 4 : i32
      %rem3A_99 = arith.remsi %add3A_97, %rem3A_98 : i32
      %lt3A_100 = arith.cmpi slt, %add3A_97, %select_n3A : i32
      %convert_element_type3A_101 = arith.extui %lt3A_100 : i1 to i32
      %cond3A_102 = arith.constant 0 : i32
      %cond3A_103 = arith.cmpi ne, %convert_element_type3A_101, %cond3A_102 : i32
      scf.if %cond3A_103 {
        %ge3A_287 = arith.constant 4 : i32
        %ge3A_288 = arith.cmpi sge, %add3A_97, %ge3A_287 : i32
        %convert_element_type3A_289 = arith.extui %ge3A_288 : i1 to i32
        %cond3A_290 = arith.constant 0 : i32
        %cond3A_291 = arith.cmpi ne, %convert_element_type3A_289, %cond3A_290 : i32
        scf.if %cond3A_291 {
          %dma_wait3A_309 = arith.constant 0 : i32
          %dma_wait3A_310 = arith.constant 0 : i32
          %dma_wait3A_311 = tpu.memref_slice %arg8[%rem3A_99, %dma_wait3A_309, %dma_wait3A_310] : memref<4x128x128xf32, #tpu.memory_space<vmem>> -> memref<1x128x128xf32, #tpu.memory_space<vmem>>
          %dma_wait3A_312 = tpu.memref_squeeze %dma_wait3A_311 : memref<1x128x128xf32, #tpu.memory_space<vmem>> -> memref<128x128xf32, #tpu.memory_space<vmem>>
          %dma_wait3A_313 = arith.constant 0 : i32
          %dma_wait3A_314 = arith.constant 0 : i32
          %dma_wait3A_315 = tpu.memref_slice %arg2[%dma_wait3A_313, %dma_wait3A_314] : memref<320000x128xf32, #tpu.memory_space<hbm>> -> memref<128x128xf32, #tpu.memory_space<hbm>>
          %dma_wait3A_316 = tpu.memref_slice %arg12[%rem3A_99] : memref<4x!tpu.dma_semaphore, #tpu.memory_space<semaphore_mem>> -> memref<1x!tpu.dma_semaphore, #tpu.memory_space<semaphore_mem>>
          %dma_wait3A_317 = tpu.memref_squeeze %dma_wait3A_316 : memref<1x!tpu.dma_semaphore, #tpu.memory_space<semaphore_mem>> -> memref<!tpu.dma_semaphore, #tpu.memory_space<semaphore_mem>>
          %dma_wait3A_318 = arith.constant 0 : i32
          %dma_wait3A_319 = arith.constant 0 : i32
          %dma_wait3A_320 = tpu.memref_slice %arg8[%rem3A_99, %dma_wait3A_318, %dma_wait3A_319] : memref<4x128x128xf32, #tpu.memory_space<vmem>> -> memref<1x128x128xf32, #tpu.memory_space<vmem>>
          %dma_wait3A_321 = tpu.memref_squeeze %dma_wait3A_320 : memref<1x128x128xf32, #tpu.memory_space<vmem>> -> memref<128x128xf32, #tpu.memory_space<vmem>>
          %dma_wait3A_322 = arith.constant 0 : i32
          %dma_wait3A_323 = arith.constant 0 : i32
          %dma_wait3A_324 = tpu.memref_slice %arg2[%dma_wait3A_322, %dma_wait3A_323] : memref<320000x128xf32, #tpu.memory_space<hbm>> -> memref<128x128xf32, #tpu.memory_space<hbm>>
          tpu.wait_dma2 semaphore(%dma_wait3A_317 : memref<!tpu.dma_semaphore, #tpu.memory_space<semaphore_mem>>) src(%dma_wait3A_324 : memref<128x128xf32, #tpu.memory_space<hbm>>) dst(%dma_wait3A_321 : memref<128x128xf32, #tpu.memory_space<vmem>>)
        } else {
        }
        %add3A_292 = arith.addi %mul3A_5, %add3A_97 : i32
        %mul3A_293 = arith.constant 128 : i32
        %mul3A_294 = arith.muli %add3A_292, %mul3A_293 : i32
        %dma_start3A_295 = arith.constant 0 : i32
        %dma_start3A_296 = arith.constant 0 : i32
        %dma_start3A_297 = tpu.memref_slice %arg8[%rem3A_99, %dma_start3A_295, %dma_start3A_296] : memref<4x128x128xf32, #tpu.memory_space<vmem>> -> memref<1x128x128xf32, #tpu.memory_space<vmem>>
        %dma_start3A_298 = tpu.memref_squeeze %dma_start3A_297 : memref<1x128x128xf32, #tpu.memory_space<vmem>> -> memref<128x128xf32, #tpu.memory_space<vmem>>
        %dma_start3A_299 = arith.constant 0 : i32
        %dma_start3A_300 = tpu.memref_slice %arg2[%mul3A_294, %dma_start3A_299] : memref<320000x128xf32, #tpu.memory_space<hbm>> -> memref<128x128xf32, #tpu.memory_space<hbm>>
        %dma_start3A_301 = tpu.memref_slice %arg11[%rem3A_99] : memref<4x!tpu.dma_semaphore, #tpu.memory_space<semaphore_mem>> -> memref<1x!tpu.dma_semaphore, #tpu.memory_space<semaphore_mem>>
        %dma_start3A_302 = tpu.memref_squeeze %dma_start3A_301 : memref<1x!tpu.dma_semaphore, #tpu.memory_space<semaphore_mem>> -> memref<!tpu.dma_semaphore, #tpu.memory_space<semaphore_mem>>
        %dma_start3A_303 = arith.constant 0 : i32
        %dma_start3A_304 = arith.constant 0 : i32
        %dma_start3A_305 = tpu.memref_slice %arg8[%rem3A_99, %dma_start3A_303, %dma_start3A_304] : memref<4x128x128xf32, #tpu.memory_space<vmem>> -> memref<1x128x128xf32, #tpu.memory_space<vmem>>
        %dma_start3A_306 = tpu.memref_squeeze %dma_start3A_305 : memref<1x128x128xf32, #tpu.memory_space<vmem>> -> memref<128x128xf32, #tpu.memory_space<vmem>>
        %dma_start3A_307 = arith.constant 0 : i32
        %dma_start3A_308 = tpu.memref_slice %arg2[%mul3A_294, %dma_start3A_307] : memref<320000x128xf32, #tpu.memory_space<hbm>> -> memref<128x128xf32, #tpu.memory_space<hbm>>
        tpu.enqueue_dma source(%dma_start3A_308 : memref<128x128xf32, #tpu.memory_space<hbm>>) target(%dma_start3A_306 : memref<128x128xf32, #tpu.memory_space<vmem>>) target_semaphore(%dma_start3A_302 : memref<!tpu.dma_semaphore, #tpu.memory_space<semaphore_mem>>)
      } else {
      }
      %get3A = arith.index_cast %while3A_94 : i32 to index
      %get3A_104 = arith.constant 0 : index
      %get3A_105 = tpu.vector_load %arg6[%get3A, %get3A_104] {strides = array<i32>} : memref<160x128xi32, #tpu.memory_space<vmem>>, vector<1x16xi32>,
      %get3A_106 = vector.shape_cast %get3A_105 : vector<1x16xi32> to vector<16xi32>
      %sub3A_107 = vector.broadcast %mul3A_0 : i32 to vector<16xi32>
      %sub3A_108 = arith.subi %get3A_106, %sub3A_107 : vector<16xi32>
      %ge3A_109 = arith.constant 0 : i32
      %ge3A_110 = vector.broadcast %ge3A_109 : i32 to vector<16xi32>
      %ge3A_111 = arith.cmpi sge, %sub3A_108, %ge3A_110 : vector<16xi32>
      %lt3A_112 = arith.constant 5120 : i32
      %lt3A_113 = vector.broadcast %lt3A_112 : i32 to vector<16xi32>
      %lt3A_114 = arith.cmpi slt, %sub3A_108, %lt3A_113 : vector<16xi32>
      %and3A = arith.andi %ge3A_111, %lt3A_114 : vector<16xi1>
      %broadcast_in_dim3A = vector.broadcast %add3A_1 : i32 to vector<16xi32>
      %select_n3A_115 = arith.select %and3A, %sub3A_108, %broadcast_in_dim3A : vector<16xi1>, vector<16xi32>
      %swap3A = arith.index_cast %rem3A_95 : i32 to index
      %swap3A_116 = arith.constant 0 : index
      %swap3A_117 = tpu.vector_load %arg7[%swap3A, %swap3A_116] {strides = array<i32>} : memref<4x128xi32, #tpu.memory_space<vmem>>, vector<1x16xi32>,
      %swap3A_118 = vector.shape_cast %swap3A_117 : vector<1x16xi32> to vector<16xi32>
      %swap3A_119 = vector.shape_cast %select_n3A_115 : vector<16xi32> to vector<1x16xi32>
      tpu.vector_store %arg7[%swap3A, %swap3A_116], %swap3A_119 {strides = array<i32>} : memref<4x128xi32, #tpu.memory_space<vmem>>, vector<1x16xi32>,
      %get3A_120 = arith.index_cast %while3A_94 : i32 to index
      %get3A_121 = arith.constant 16 : index
      %get3A_122 = tpu.vector_load %arg6[%get3A_120, %get3A_121] {strides = array<i32>} : memref<160x128xi32, #tpu.memory_space<vmem>>, vector<1x16xi32>,
      %get3A_123 = vector.shape_cast %get3A_122 : vector<1x16xi32> to vector<16xi32>
      %sub3A_124 = vector.broadcast %mul3A_0 : i32 to vector<16xi32>
      %sub3A_125 = arith.subi %get3A_123, %sub3A_124 : vector<16xi32>
      %ge3A_126 = arith.constant 0 : i32
      %ge3A_127 = vector.broadcast %ge3A_126 : i32 to vector<16xi32>
      %ge3A_128 = arith.cmpi sge, %sub3A_125, %ge3A_127 : vector<16xi32>
      %lt3A_129 = arith.constant 5120 : i32
      %lt3A_130 = vector.broadcast %lt3A_129 : i32 to vector<16xi32>
      %lt3A_131 = arith.cmpi slt, %sub3A_125, %lt3A_130 : vector<16xi32>
      %and3A_132 = arith.andi %ge3A_128, %lt3A_131 : vector<16xi1>
      %broadcast_in_dim3A_133 = vector.broadcast %add3A_1 : i32 to vector<16xi32>
      %select_n3A_134 = arith.select %and3A_132, %sub3A_125, %broadcast_in_dim3A_133 : vector<16xi1>, vector<16xi32>
      %swap3A_135 = arith.index_cast %rem3A_95 : i32 to index
      %swap3A_136 = arith.constant 16 : index
      %swap3A_137 = tpu.vector_load %arg7[%swap3A_135, %swap3A_136] {strides = array<i32>} : memref<4x128xi32, #tpu.memory_space<vmem>>, vector<1x16xi32>,
      %swap3A_138 = vector.shape_cast %swap3A_137 : vector<1x16xi32> to vector<16xi32>
      %swap3A_139 = vector.shape_cast %select_n3A_134 : vector<16xi32> to vector<1x16xi32>
      tpu.vector_store %arg7[%swap3A_135, %swap3A_136], %swap3A_139 {strides = array<i32>} : memref<4x128xi32, #tpu.memory_space<vmem>>, vector<1x16xi32>,
      %get3A_140 = arith.index_cast %while3A_94 : i32 to index
      %get3A_141 = arith.constant 32 : index
      %get3A_142 = tpu.vector_load %arg6[%get3A_140, %get3A_141] {strides = array<i32>} : memref<160x128xi32, #tpu.memory_space<vmem>>, vector<1x16xi32>,
      %get3A_143 = vector.shape_cast %get3A_142 : vector<1x16xi32> to vector<16xi32>
      %sub3A_144 = vector.broadcast %mul3A_0 : i32 to vector<16xi32>
      %sub3A_145 = arith.subi %get3A_143, %sub3A_144 : vector<16xi32>
      %ge3A_146 = arith.constant 0 : i32
      %ge3A_147 = vector.broadcast %ge3A_146 : i32 to vector<16xi32>
      %ge3A_148 = arith.cmpi sge, %sub3A_145, %ge3A_147 : vector<16xi32>
      %lt3A_149 = arith.constant 5120 : i32
      %lt3A_150 = vector.broadcast %lt3A_149 : i32 to vector<16xi32>
      %lt3A_151 = arith.cmpi slt, %sub3A_145, %lt3A_150 : vector<16xi32>
      %and3A_152 = arith.andi %ge3A_148, %lt3A_151 : vector<16xi1>
      %broadcast_in_dim3A_153 = vector.broadcast %add3A_1 : i32 to vector<16xi32>
      %select_n3A_154 = arith.select %and3A_152, %sub3A_145, %broadcast_in_dim3A_153 : vector<16xi1>, vector<16xi32>
      %swap3A_155 = arith.index_cast %rem3A_95 : i32 to index
      %swap3A_156 = arith.constant 32 : index
      %swap3A_157 = tpu.vector_load %arg7[%swap3A_155, %swap3A_156] {strides = array<i32>} : memref<4x128xi32, #tpu.memory_space<vmem>>, vector<1x16xi32>,
      %swap3A_158 = vector.shape_cast %swap3A_157 : vector<1x16xi32> to vector<16xi32>
      %swap3A_159 = vector.shape_cast %select_n3A_154 : vector<16xi32> to vector<1x16xi32>
      tpu.vector_store %arg7[%swap3A_155, %swap3A_156], %swap3A_159 {strides = array<i32>} : memref<4x128xi32, #tpu.memory_space<vmem>>, vector<1x16xi32>,
      %get3A_160 = arith.index_cast %while3A_94 : i32 to index
      %get3A_161 = arith.constant 48 : index
      %get3A_162 = tpu.vector_load %arg6[%get3A_160, %get3A_161] {strides = array<i32>} : memref<160x128xi32, #tpu.memory_space<vmem>>, vector<1x16xi32>,
      %get3A_163 = vector.shape_cast %get3A_162 : vector<1x16xi32> to vector<16xi32>
      %sub3A_164 = vector.broadcast %mul3A_0 : i32 to vector<16xi32>
      %sub3A_165 = arith.subi %get3A_163, %sub3A_164 : vector<16xi32>
      %ge3A_166 = arith.constant 0 : i32
      %ge3A_167 = vector.broadcast %ge3A_166 : i32 to vector<16xi32>
      %ge3A_168 = arith.cmpi sge, %sub3A_165, %ge3A_167 : vector<16xi32>
      %lt3A_169 = arith.constant 5120 : i32
      %lt3A_170 = vector.broadcast %lt3A_169 : i32 to vector<16xi32>
      %lt3A_171 = arith.cmpi slt, %sub3A_165, %lt3A_170 : vector<16xi32>
      %and3A_172 = arith.andi %ge3A_168, %lt3A_171 : vector<16xi1>
      %broadcast_in_dim3A_173 = vector.broadcast %add3A_1 : i32 to vector<16xi32>
      %select_n3A_174 = arith.select %and3A_172, %sub3A_165, %broadcast_in_dim3A_173 : vector<16xi1>, vector<16xi32>
      %swap3A_175 = arith.index_cast %rem3A_95 : i32 to index
      %swap3A_176 = arith.constant 48 : index
      %swap3A_177 = tpu.vector_load %arg7[%swap3A_175, %swap3A_176] {strides = array<i32>} : memref<4x128xi32, #tpu.memory_space<vmem>>, vector<1x16xi32>,
      %swap3A_178 = vector.shape_cast %swap3A_177 : vector<1x16xi32> to vector<16xi32>
      %swap3A_179 = vector.shape_cast %select_n3A_174 : vector<16xi32> to vector<1x16xi32>
      tpu.vector_store %arg7[%swap3A_175, %swap3A_176], %swap3A_179 {strides = array<i32>} : memref<4x128xi32, #tpu.memory_space<vmem>>, vector<1x16xi32>,
      %get3A_180 = arith.index_cast %while3A_94 : i32 to index
      %get3A_181 = arith.constant 64 : index
      %get3A_182 = tpu.vector_load %arg6[%get3A_180, %get3A_181] {strides = array<i32>} : memref<160x128xi32, #tpu.memory_space<vmem>>, vector<1x16xi32>,
      %get3A_183 = vector.shape_cast %get3A_182 : vector<1x16xi32> to vector<16xi32>
      %sub3A_184 = vector.broadcast %mul3A_0 : i32 to vector<16xi32>
      %sub3A_185 = arith.subi %get3A_183, %sub3A_184 : vector<16xi32>
      %ge3A_186 = arith.constant 0 : i32
      %ge3A_187 = vector.broadcast %ge3A_186 : i32 to vector<16xi32>
      %ge3A_188 = arith.cmpi sge, %sub3A_185, %ge3A_187 : vector<16xi32>
      %lt3A_189 = arith.constant 5120 : i32
      %lt3A_190 = vector.broadcast %lt3A_189 : i32 to vector<16xi32>
      %lt3A_191 = arith.cmpi slt, %sub3A_185, %lt3A_190 : vector<16xi32>
      %and3A_192 = arith.andi %ge3A_188, %lt3A_191 : vector<16xi1>
      %broadcast_in_dim3A_193 = vector.broadcast %add3A_1 : i32 to vector<16xi32>
      %select_n3A_194 = arith.select %and3A_192, %sub3A_185, %broadcast_in_dim3A_193 : vector<16xi1>, vector<16xi32>
      %swap3A_195 = arith.index_cast %rem3A_95 : i32 to index
      %swap3A_196 = arith.constant 64 : index
      %swap3A_197 = tpu.vector_load %arg7[%swap3A_195, %swap3A_196] {strides = array<i32>} : memref<4x128xi32, #tpu.memory_space<vmem>>, vector<1x16xi32>,
      %swap3A_198 = vector.shape_cast %swap3A_197 : vector<1x16xi32> to vector<16xi32>
      %swap3A_199 = vector.shape_cast %select_n3A_194 : vector<16xi32> to vector<1x16xi32>
      tpu.vector_store %arg7[%swap3A_195, %swap3A_196], %swap3A_199 {strides = array<i32>} : memref<4x128xi32, #tpu.memory_space<vmem>>, vector<1x16xi32>,
      %get3A_200 = arith.index_cast %while3A_94 : i32 to index
      %get3A_201 = arith.constant 80 : index
      %get3A_202 = tpu.vector_load %arg6[%get3A_200, %get3A_201] {strides = array<i32>} : memref<160x128xi32, #tpu.memory_space<vmem>>, vector<1x16xi32>,
      %get3A_203 = vector.shape_cast %get3A_202 : vector<1x16xi32> to vector<16xi32>
      %sub3A_204 = vector.broadcast %mul3A_0 : i32 to vector<16xi32>
      %sub3A_205 = arith.subi %get3A_203, %sub3A_204 : vector<16xi32>
      %ge3A_206 = arith.constant 0 : i32
      %ge3A_207 = vector.broadcast %ge3A_206 : i32 to vector<16xi32>
      %ge3A_208 = arith.cmpi sge, %sub3A_205, %ge3A_207 : vector<16xi32>
      %lt3A_209 = arith.constant 5120 : i32
      %lt3A_210 = vector.broadcast %lt3A_209 : i32 to vector<16xi32>
      %lt3A_211 = arith.cmpi slt, %sub3A_205, %lt3A_210 : vector<16xi32>
      %and3A_212 = arith.andi %ge3A_208, %lt3A_211 : vector<16xi1>
      %broadcast_in_dim3A_213 = vector.broadcast %add3A_1 : i32 to vector<16xi32>
      %select_n3A_214 = arith.select %and3A_212, %sub3A_205, %broadcast_in_dim3A_213 : vector<16xi1>, vector<16xi32>
      %swap3A_215 = arith.index_cast %rem3A_95 : i32 to index
      %swap3A_216 = arith.constant 80 : index
      %swap3A_217 = tpu.vector_load %arg7[%swap3A_215, %swap3A_216] {strides = array<i32>} : memref<4x128xi32, #tpu.memory_space<vmem>>, vector<1x16xi32>,
      %swap3A_218 = vector.shape_cast %swap3A_217 : vector<1x16xi32> to vector<16xi32>
      %swap3A_219 = vector.shape_cast %select_n3A_214 : vector<16xi32> to vector<1x16xi32>
      tpu.vector_store %arg7[%swap3A_215, %swap3A_216], %swap3A_219 {strides = array<i32>} : memref<4x128xi32, #tpu.memory_space<vmem>>, vector<1x16xi32>,
      %get3A_220 = arith.index_cast %while3A_94 : i32 to index
      %get3A_221 = arith.constant 96 : index
      %get3A_222 = tpu.vector_load %arg6[%get3A_220, %get3A_221] {strides = array<i32>} : memref<160x128xi32, #tpu.memory_space<vmem>>, vector<1x16xi32>,
      %get3A_223 = vector.shape_cast %get3A_222 : vector<1x16xi32> to vector<16xi32>
      %sub3A_224 = vector.broadcast %mul3A_0 : i32 to vector<16xi32>
      %sub3A_225 = arith.subi %get3A_223, %sub3A_224 : vector<16xi32>
      %ge3A_226 = arith.constant 0 : i32
      %ge3A_227 = vector.broadcast %ge3A_226 : i32 to vector<16xi32>
      %ge3A_228 = arith.cmpi sge, %sub3A_225, %ge3A_227 : vector<16xi32>
      %lt3A_229 = arith.constant 5120 : i32
      %lt3A_230 = vector.broadcast %lt3A_229 : i32 to vector<16xi32>
      %lt3A_231 = arith.cmpi slt, %sub3A_225, %lt3A_230 : vector<16xi32>
      %and3A_232 = arith.andi %ge3A_228, %lt3A_231 : vector<16xi1>
      %broadcast_in_dim3A_233 = vector.broadcast %add3A_1 : i32 to vector<16xi32>
      %select_n3A_234 = arith.select %and3A_232, %sub3A_225, %broadcast_in_dim3A_233 : vector<16xi1>, vector<16xi32>
      %swap3A_235 = arith.index_cast %rem3A_95 : i32 to index
      %swap3A_236 = arith.constant 96 : index
      %swap3A_237 = tpu.vector_load %arg7[%swap3A_235, %swap3A_236] {strides = array<i32>} : memref<4x128xi32, #tpu.memory_space<vmem>>, vector<1x16xi32>,
      %swap3A_238 = vector.shape_cast %swap3A_237 : vector<1x16xi32> to vector<16xi32>
      %swap3A_239 = vector.shape_cast %select_n3A_234 : vector<16xi32> to vector<1x16xi32>
      tpu.vector_store %arg7[%swap3A_235, %swap3A_236], %swap3A_239 {strides = array<i32>} : memref<4x128xi32, #tpu.memory_space<vmem>>, vector<1x16xi32>,
      %get3A_240 = arith.index_cast %while3A_94 : i32 to index
      %get3A_241 = arith.constant 112 : index
      %get3A_242 = tpu.vector_load %arg6[%get3A_240, %get3A_241] {strides = array<i32>} : memref<160x128xi32, #tpu.memory_space<vmem>>, vector<1x16xi32>,
      %get3A_243 = vector.shape_cast %get3A_242 : vector<1x16xi32> to vector<16xi32>
      %sub3A_244 = vector.broadcast %mul3A_0 : i32 to vector<16xi32>
      %sub3A_245 = arith.subi %get3A_243, %sub3A_244 : vector<16xi32>
      %ge3A_246 = arith.constant 0 : i32
      %ge3A_247 = vector.broadcast %ge3A_246 : i32 to vector<16xi32>
      %ge3A_248 = arith.cmpi sge, %sub3A_245, %ge3A_247 : vector<16xi32>
      %lt3A_249 = arith.constant 5120 : i32
      %lt3A_250 = vector.broadcast %lt3A_249 : i32 to vector<16xi32>
      %lt3A_251 = arith.cmpi slt, %sub3A_245, %lt3A_250 : vector<16xi32>
      %and3A_252 = arith.andi %ge3A_248, %lt3A_251 : vector<16xi1>
      %broadcast_in_dim3A_253 = vector.broadcast %add3A_1 : i32 to vector<16xi32>
      %select_n3A_254 = arith.select %and3A_252, %sub3A_245, %broadcast_in_dim3A_253 : vector<16xi1>, vector<16xi32>
      %swap3A_255 = arith.index_cast %rem3A_95 : i32 to index
      %swap3A_256 = arith.constant 112 : index
      %swap3A_257 = tpu.vector_load %arg7[%swap3A_255, %swap3A_256] {strides = array<i32>} : memref<4x128xi32, #tpu.memory_space<vmem>>, vector<1x16xi32>,
      %swap3A_258 = vector.shape_cast %swap3A_257 : vector<1x16xi32> to vector<16xi32>
      %swap3A_259 = vector.shape_cast %select_n3A_254 : vector<16xi32> to vector<1x16xi32>
      tpu.vector_store %arg7[%swap3A_255, %swap3A_256], %swap3A_259 {strides = array<i32>} : memref<4x128xi32, #tpu.memory_space<vmem>>, vector<1x16xi32>,
      %dma_wait3A = arith.constant 0 : i32
      %dma_wait3A_260 = arith.constant 0 : i32
      %dma_wait3A_261 = tpu.memref_slice %arg8[%rem3A_95, %dma_wait3A, %dma_wait3A_260] : memref<4x128x128xf32, #tpu.memory_space<vmem>> -> memref<1x128x128xf32, #tpu.memory_space<vmem>>
      %dma_wait3A_262 = tpu.memref_squeeze %dma_wait3A_261 : memref<1x128x128xf32, #tpu.memory_space<vmem>> -> memref<128x128xf32, #tpu.memory_space<vmem>>
      %dma_wait3A_263 = arith.constant 0 : i32
      %dma_wait3A_264 = arith.constant 0 : i32
      %dma_wait3A_265 = tpu.memref_slice %arg2[%dma_wait3A_263, %dma_wait3A_264] : memref<320000x128xf32, #tpu.memory_space<hbm>> -> memref<128x128xf32, #tpu.memory_space<hbm>>
      %dma_wait3A_266 = tpu.memref_slice %arg11[%rem3A_95] : memref<4x!tpu.dma_semaphore, #tpu.memory_space<semaphore_mem>> -> memref<1x!tpu.dma_semaphore, #tpu.memory_space<semaphore_mem>>
      %dma_wait3A_267 = tpu.memref_squeeze %dma_wait3A_266 : memref<1x!tpu.dma_semaphore, #tpu.memory_space<semaphore_mem>> -> memref<!tpu.dma_semaphore, #tpu.memory_space<semaphore_mem>>
      %dma_wait3A_268 = arith.constant 0 : i32
      %dma_wait3A_269 = arith.constant 0 : i32
      %dma_wait3A_270 = tpu.memref_slice %arg8[%rem3A_95, %dma_wait3A_268, %dma_wait3A_269] : memref<4x128x128xf32, #tpu.memory_space<vmem>> -> memref<1x128x128xf32, #tpu.memory_space<vmem>>
      %dma_wait3A_271 = tpu.memref_squeeze %dma_wait3A_270 : memref<1x128x128xf32, #tpu.memory_space<vmem>> -> memref<128x128xf32, #tpu.memory_space<vmem>>
      %dma_wait3A_272 = arith.constant 0 : i32
      %dma_wait3A_273 = arith.constant 0 : i32
      %dma_wait3A_274 = tpu.memref_slice %arg2[%dma_wait3A_272, %dma_wait3A_273] : memref<320000x128xf32, #tpu.memory_space<hbm>> -> memref<128x128xf32, #tpu.memory_space<hbm>>
      tpu.wait_dma2 semaphore(%dma_wait3A_267 : memref<!tpu.dma_semaphore, #tpu.memory_space<semaphore_mem>>) src(%dma_wait3A_274 : memref<128x128xf32, #tpu.memory_space<hbm>>) dst(%dma_wait3A_271 : memref<128x128xf32, #tpu.memory_space<vmem>>)
      %dma_start3A_275 = arith.constant 0 : i32
      %dma_start3A_276 = arith.constant 0 : i32
      %dma_start3A_277 = tpu.memref_slice %arg8[%rem3A_95, %dma_start3A_275, %dma_start3A_276] : memref<4x128x128xf32, #tpu.memory_space<vmem>> -> memref<1x128x128xf32, #tpu.memory_space<vmem>>
      %dma_start3A_278 = tpu.memref_squeeze %dma_start3A_277 : memref<1x128x128xf32, #tpu.memory_space<vmem>> -> memref<128x128xf32, #tpu.memory_space<vmem>>
      %dma_start3A_279 = arith.constant 0 : i32
      %dma_start3A_280 = tpu.memref_slice %arg7[%rem3A_95, %dma_start3A_279] : memref<4x128xi32, #tpu.memory_space<vmem>> -> memref<1x128xi32, #tpu.memory_space<vmem>>
      %dma_start3A_281 = tpu.memref_squeeze %dma_start3A_280 : memref<1x128xi32, #tpu.memory_space<vmem>> -> memref<128xi32, #tpu.memory_space<vmem>>
      %dma_start3A_282 = arith.constant 0 : i32
      %dma_start3A_283 = arith.constant 0 : i32
      %dma_start3A_284 = tpu.memref_slice %arg10[%dma_start3A_282, %dma_start3A_283] : memref<5136x128xf32, #tpu.memory_space<vmem_shared>> -> memref<5136x128xf32, #tpu.memory_space<vmem_shared>>
      %dma_start3A_285 = tpu.memref_slice %arg12[%rem3A_95] : memref<4x!tpu.dma_semaphore, #tpu.memory_space<semaphore_mem>> -> memref<1x!tpu.dma_semaphore, #tpu.memory_space<semaphore_mem>>
      %dma_start3A_286 = tpu.memref_squeeze %dma_start3A_285 : memref<1x!tpu.dma_semaphore, #tpu.memory_space<semaphore_mem>> -> memref<!tpu.dma_semaphore, #tpu.memory_space<semaphore_mem>>
      tpu.enqueue_indirect_dma source(%dma_start3A_278 : memref<128x128xf32, #tpu.memory_space<vmem>>) target(%dma_start3A_284 : memref<5136x128xf32, #tpu.memory_space<vmem_shared>>) offsets(%dma_start3A_281 : memref<128xi32, #tpu.memory_space<vmem>>) semaphore(%dma_start3A_286 : memref<!tpu.dma_semaphore, #tpu.memory_space<semaphore_mem>>) {add = true}
    }
    %sub3A = arith.constant 4 : i32
    %sub3A_54 = arith.subi %select_n3A, %sub3A : i32
    %add3A_55 = arith.constant 0 : i32
    %add3A_56 = arith.addi %sub3A_54, %add3A_55 : i32
    %ge3A = arith.constant 0 : i32
    %ge3A_57 = arith.cmpi sge, %add3A_56, %ge3A : i32
    %convert_element_type3A_58 = arith.extui %ge3A_57 : i1 to i32
    %cond3A_59 = arith.constant 0 : i32
    %cond3A_60 = arith.cmpi ne, %convert_element_type3A_58, %cond3A_59 : i32
    scf.if %cond3A_60 {
      %dma_wait3A = arith.constant 0 : i32
      %dma_wait3A_94 = arith.constant 0 : i32
      %dma_wait3A_95 = arith.constant 0 : i32
      %dma_wait3A_96 = arith.constant 0 : i32
      %dma_wait3A_97 = tpu.memref_slice %arg8[%dma_wait3A, %dma_wait3A_95, %dma_wait3A_96] : memref<4x128x128xf32, #tpu.memory_space<vmem>> -> memref<1x128x128xf32, #tpu.memory_space<vmem>>
      %dma_wait3A_98 = tpu.memref_squeeze %dma_wait3A_97 : memref<1x128x128xf32, #tpu.memory_space<vmem>> -> memref<128x128xf32, #tpu.memory_space<vmem>>
      %dma_wait3A_99 = arith.constant 0 : i32
      %dma_wait3A_100 = arith.constant 0 : i32
      %dma_wait3A_101 = tpu.memref_slice %arg2[%dma_wait3A_99, %dma_wait3A_100] : memref<320000x128xf32, #tpu.memory_space<hbm>> -> memref<128x128xf32, #tpu.memory_space<hbm>>
      %dma_wait3A_102 = tpu.memref_slice %arg12[%dma_wait3A_94] : memref<4x!tpu.dma_semaphore, #tpu.memory_space<semaphore_mem>> -> memref<1x!tpu.dma_semaphore, #tpu.memory_space<semaphore_mem>>
      %dma_wait3A_103 = tpu.memref_squeeze %dma_wait3A_102 : memref<1x!tpu.dma_semaphore, #tpu.memory_space<semaphore_mem>> -> memref<!tpu.dma_semaphore, #tpu.memory_space<semaphore_mem>>
      %dma_wait3A_104 = arith.constant 0 : i32
      %dma_wait3A_105 = arith.constant 0 : i32
      %dma_wait3A_106 = tpu.memref_slice %arg8[%dma_wait3A, %dma_wait3A_104, %dma_wait3A_105] : memref<4x128x128xf32, #tpu.memory_space<vmem>> -> memref<1x128x128xf32, #tpu.memory_space<vmem>>
      %dma_wait3A_107 = tpu.memref_squeeze %dma_wait3A_106 : memref<1x128x128xf32, #tpu.memory_space<vmem>> -> memref<128x128xf32, #tpu.memory_space<vmem>>
      %dma_wait3A_108 = arith.constant 0 : i32
      %dma_wait3A_109 = arith.constant 0 : i32
      %dma_wait3A_110 = tpu.memref_slice %arg2[%dma_wait3A_108, %dma_wait3A_109] : memref<320000x128xf32, #tpu.memory_space<hbm>> -> memref<128x128xf32, #tpu.memory_space<hbm>>
      tpu.wait_dma2 semaphore(%dma_wait3A_103 : memref<!tpu.dma_semaphore, #tpu.memory_space<semaphore_mem>>) src(%dma_wait3A_110 : memref<128x128xf32, #tpu.memory_space<hbm>>) dst(%dma_wait3A_107 : memref<128x128xf32, #tpu.memory_space<vmem>>)
    } else {
    }
    %sub3A_61 = arith.constant 4 : i32
    %sub3A_62 = arith.subi %select_n3A, %sub3A_61 : i32
    %add3A_63 = arith.constant 1 : i32
    %add3A_64 = arith.addi %sub3A_62, %add3A_63 : i32
    %ge3A_65 = arith.constant 0 : i32
    %ge3A_66 = arith.cmpi sge, %add3A_64, %ge3A_65 : i32
    %convert_element_type3A_67 = arith.extui %ge3A_66 : i1 to i32
    %cond3A_68 = arith.constant 0 : i32
    %cond3A_69 = arith.cmpi ne, %convert_element_type3A_67, %cond3A_68 : i32
    scf.if %cond3A_69 {
      %dma_wait3A = arith.constant 1 : i32
      %dma_wait3A_94 = arith.constant 1 : i32
      %dma_wait3A_95 = arith.constant 0 : i32
      %dma_wait3A_96 = arith.constant 0 : i32
      %dma_wait3A_97 = tpu.memref_slice %arg8[%dma_wait3A, %dma_wait3A_95, %dma_wait3A_96] : memref<4x128x128xf32, #tpu.memory_space<vmem>> -> memref<1x128x128xf32, #tpu.memory_space<vmem>>
      %dma_wait3A_98 = tpu.memref_squeeze %dma_wait3A_97 : memref<1x128x128xf32, #tpu.memory_space<vmem>> -> memref<128x128xf32, #tpu.memory_space<vmem>>
      %dma_wait3A_99 = arith.constant 0 : i32
      %dma_wait3A_100 = arith.constant 0 : i32
      %dma_wait3A_101 = tpu.memref_slice %arg2[%dma_wait3A_99, %dma_wait3A_100] : memref<320000x128xf32, #tpu.memory_space<hbm>> -> memref<128x128xf32, #tpu.memory_space<hbm>>
      %dma_wait3A_102 = tpu.memref_slice %arg12[%dma_wait3A_94] : memref<4x!tpu.dma_semaphore, #tpu.memory_space<semaphore_mem>> -> memref<1x!tpu.dma_semaphore, #tpu.memory_space<semaphore_mem>>
      %dma_wait3A_103 = tpu.memref_squeeze %dma_wait3A_102 : memref<1x!tpu.dma_semaphore, #tpu.memory_space<semaphore_mem>> -> memref<!tpu.dma_semaphore, #tpu.memory_space<semaphore_mem>>
      %dma_wait3A_104 = arith.constant 0 : i32
      %dma_wait3A_105 = arith.constant 0 : i32
      %dma_wait3A_106 = tpu.memref_slice %arg8[%dma_wait3A, %dma_wait3A_104, %dma_wait3A_105] : memref<4x128x128xf32, #tpu.memory_space<vmem>> -> memref<1x128x128xf32, #tpu.memory_space<vmem>>
      %dma_wait3A_107 = tpu.memref_squeeze %dma_wait3A_106 : memref<1x128x128xf32, #tpu.memory_space<vmem>> -> memref<128x128xf32, #tpu.memory_space<vmem>>
      %dma_wait3A_108 = arith.constant 0 : i32
      %dma_wait3A_109 = arith.constant 0 : i32
      %dma_wait3A_110 = tpu.memref_slice %arg2[%dma_wait3A_108, %dma_wait3A_109] : memref<320000x128xf32, #tpu.memory_space<hbm>> -> memref<128x128xf32, #tpu.memory_space<hbm>>
      tpu.wait_dma2 semaphore(%dma_wait3A_103 : memref<!tpu.dma_semaphore, #tpu.memory_space<semaphore_mem>>) src(%dma_wait3A_110 : memref<128x128xf32, #tpu.memory_space<hbm>>) dst(%dma_wait3A_107 : memref<128x128xf32, #tpu.memory_space<vmem>>)
    } else {
    }
    %sub3A_70 = arith.constant 4 : i32
    %sub3A_71 = arith.subi %select_n3A, %sub3A_70 : i32
    %add3A_72 = arith.constant 2 : i32
    %add3A_73 = arith.addi %sub3A_71, %add3A_72 : i32
    %ge3A_74 = arith.constant 0 : i32
    %ge3A_75 = arith.cmpi sge, %add3A_73, %ge3A_74 : i32
    %convert_element_type3A_76 = arith.extui %ge3A_75 : i1 to i32
    %cond3A_77 = arith.constant 0 : i32
    %cond3A_78 = arith.cmpi ne, %convert_element_type3A_76, %cond3A_77 : i32
    scf.if %cond3A_78 {
      %dma_wait3A = arith.constant 2 : i32
      %dma_wait3A_94 = arith.constant 2 : i32
      %dma_wait3A_95 = arith.constant 0 : i32
      %dma_wait3A_96 = arith.constant 0 : i32
      %dma_wait3A_97 = tpu.memref_slice %arg8[%dma_wait3A, %dma_wait3A_95, %dma_wait3A_96] : memref<4x128x128xf32, #tpu.memory_space<vmem>> -> memref<1x128x128xf32, #tpu.memory_space<vmem>>
      %dma_wait3A_98 = tpu.memref_squeeze %dma_wait3A_97 : memref<1x128x128xf32, #tpu.memory_space<vmem>> -> memref<128x128xf32, #tpu.memory_space<vmem>>
      %dma_wait3A_99 = arith.constant 0 : i32
      %dma_wait3A_100 = arith.constant 0 : i32
      %dma_wait3A_101 = tpu.memref_slice %arg2[%dma_wait3A_99, %dma_wait3A_100] : memref<320000x128xf32, #tpu.memory_space<hbm>> -> memref<128x128xf32, #tpu.memory_space<hbm>>
      %dma_wait3A_102 = tpu.memref_slice %arg12[%dma_wait3A_94] : memref<4x!tpu.dma_semaphore, #tpu.memory_space<semaphore_mem>> -> memref<1x!tpu.dma_semaphore, #tpu.memory_space<semaphore_mem>>
      %dma_wait3A_103 = tpu.memref_squeeze %dma_wait3A_102 : memref<1x!tpu.dma_semaphore, #tpu.memory_space<semaphore_mem>> -> memref<!tpu.dma_semaphore, #tpu.memory_space<semaphore_mem>>
      %dma_wait3A_104 = arith.constant 0 : i32
      %dma_wait3A_105 = arith.constant 0 : i32
      %dma_wait3A_106 = tpu.memref_slice %arg8[%dma_wait3A, %dma_wait3A_104, %dma_wait3A_105] : memref<4x128x128xf32, #tpu.memory_space<vmem>> -> memref<1x128x128xf32, #tpu.memory_space<vmem>>
      %dma_wait3A_107 = tpu.memref_squeeze %dma_wait3A_106 : memref<1x128x128xf32, #tpu.memory_space<vmem>> -> memref<128x128xf32, #tpu.memory_space<vmem>>
      %dma_wait3A_108 = arith.constant 0 : i32
      %dma_wait3A_109 = arith.constant 0 : i32
      %dma_wait3A_110 = tpu.memref_slice %arg2[%dma_wait3A_108, %dma_wait3A_109] : memref<320000x128xf32, #tpu.memory_space<hbm>> -> memref<128x128xf32, #tpu.memory_space<hbm>>
      tpu.wait_dma2 semaphore(%dma_wait3A_103 : memref<!tpu.dma_semaphore, #tpu.memory_space<semaphore_mem>>) src(%dma_wait3A_110 : memref<128x128xf32, #tpu.memory_space<hbm>>) dst(%dma_wait3A_107 : memref<128x128xf32, #tpu.memory_space<vmem>>)
    } else {
    }
    %sub3A_79 = arith.constant 4 : i32
    %sub3A_80 = arith.subi %select_n3A, %sub3A_79 : i32
    %add3A_81 = arith.constant 3 : i32
    %add3A_82 = arith.addi %sub3A_80, %add3A_81 : i32
    %ge3A_83 = arith.constant 0 : i32
    %ge3A_84 = arith.cmpi sge, %add3A_82, %ge3A_83 : i32
    %convert_element_type3A_85 = arith.extui %ge3A_84 : i1 to i32
    %cond3A_86 = arith.constant 0 : i32
    %cond3A_87 = arith.cmpi ne, %convert_element_type3A_85, %cond3A_86 : i32
    scf.if %cond3A_87 {
      %dma_wait3A = arith.constant 3 : i32
      %dma_wait3A_94 = arith.constant 3 : i32
      %dma_wait3A_95 = arith.constant 0 : i32
      %dma_wait3A_96 = arith.constant 0 : i32
      %dma_wait3A_97 = tpu.memref_slice %arg8[%dma_wait3A, %dma_wait3A_95, %dma_wait3A_96] : memref<4x128x128xf32, #tpu.memory_space<vmem>> -> memref<1x128x128xf32, #tpu.memory_space<vmem>>
      %dma_wait3A_98 = tpu.memref_squeeze %dma_wait3A_97 : memref<1x128x128xf32, #tpu.memory_space<vmem>> -> memref<128x128xf32, #tpu.memory_space<vmem>>
      %dma_wait3A_99 = arith.constant 0 : i32
      %dma_wait3A_100 = arith.constant 0 : i32
      %dma_wait3A_101 = tpu.memref_slice %arg2[%dma_wait3A_99, %dma_wait3A_100] : memref<320000x128xf32, #tpu.memory_space<hbm>> -> memref<128x128xf32, #tpu.memory_space<hbm>>
      %dma_wait3A_102 = tpu.memref_slice %arg12[%dma_wait3A_94] : memref<4x!tpu.dma_semaphore, #tpu.memory_space<semaphore_mem>> -> memref<1x!tpu.dma_semaphore, #tpu.memory_space<semaphore_mem>>
      %dma_wait3A_103 = tpu.memref_squeeze %dma_wait3A_102 : memref<1x!tpu.dma_semaphore, #tpu.memory_space<semaphore_mem>> -> memref<!tpu.dma_semaphore, #tpu.memory_space<semaphore_mem>>
      %dma_wait3A_104 = arith.constant 0 : i32
      %dma_wait3A_105 = arith.constant 0 : i32
      %dma_wait3A_106 = tpu.memref_slice %arg8[%dma_wait3A, %dma_wait3A_104, %dma_wait3A_105] : memref<4x128x128xf32, #tpu.memory_space<vmem>> -> memref<1x128x128xf32, #tpu.memory_space<vmem>>
      %dma_wait3A_107 = tpu.memref_squeeze %dma_wait3A_106 : memref<1x128x128xf32, #tpu.memory_space<vmem>> -> memref<128x128xf32, #tpu.memory_space<vmem>>
      %dma_wait3A_108 = arith.constant 0 : i32
      %dma_wait3A_109 = arith.constant 0 : i32
      %dma_wait3A_110 = tpu.memref_slice %arg2[%dma_wait3A_108, %dma_wait3A_109] : memref<320000x128xf32, #tpu.memory_space<hbm>> -> memref<128x128xf32, #tpu.memory_space<hbm>>
      tpu.wait_dma2 semaphore(%dma_wait3A_103 : memref<!tpu.dma_semaphore, #tpu.memory_space<semaphore_mem>>) src(%dma_wait3A_110 : memref<128x128xf32, #tpu.memory_space<hbm>>) dst(%dma_wait3A_107 : memref<128x128xf32, #tpu.memory_space<vmem>>)
    } else {
    }
    %barrier3A_88 = arith.constant 0 : index
    tpu.barrier barrier_id(%barrier3A_88)
    %scan3A = arith.constant 0 : i32
    %scan3A_89 = arith.constant 0 : i32
    %scan3A_90 = arith.constant 20 : i32
    %scan3A_91 = arith.addi %scan3A_89, %scan3A_90 : i32
    %scan3A_92 = arith.constant 1 : i32
    scf.for %scan3A_94 = %scan3A_89 to %scan3A_91 step %scan3A_92  : i32 {
      %mul3A_95 = arith.constant 320 : i32
      %mul3A_96 = arith.muli %arg1, %mul3A_95 : i32
      %mul3A_97 = arith.constant 16 : i32
      %mul3A_98 = arith.muli %scan3A_94, %mul3A_97 : i32
      %add3A_99 = arith.addi %mul3A_96, %mul3A_98 : i32
      "tpu.region"() ({
        %run_scoped3A = tpu.sem_alloc : memref<!tpu.dma_semaphore, #tpu.memory_space<semaphore_mem>>
        %dma_start3A_100 = arith.constant 0 : i32
        %dma_start3A_101 = tpu.memref_slice %arg10[%add3A_99, %dma_start3A_100] : memref<5136x128xf32, #tpu.memory_space<vmem_shared>> -> memref<16x128xf32, #tpu.memory_space<vmem_shared>>
        %dma_start3A_102 = arith.constant 0 : i32
        %dma_start3A_103 = tpu.memref_slice %arg10[%add3A_99, %dma_start3A_102] : memref<5136x128xf32, #tpu.memory_space<vmem_shared>> -> memref<16x128xf32, #tpu.memory_space<vmem_shared>>
        tpu.enqueue_dma source(%dma_start3A_103 : memref<16x128xf32, #tpu.memory_space<vmem_shared>>) target(%arg9 : memref<16x128xf32, #tpu.memory_space<vmem>>) target_semaphore(%run_scoped3A : memref<!tpu.dma_semaphore, #tpu.memory_space<semaphore_mem>>)
        %dma_wait3A = arith.constant 0 : i32
        %dma_wait3A_104 = tpu.memref_slice %arg10[%add3A_99, %dma_wait3A] : memref<5136x128xf32, #tpu.memory_space<vmem_shared>> -> memref<16x128xf32, #tpu.memory_space<vmem_shared>>
        %dma_wait3A_105 = arith.constant 0 : i32
        %dma_wait3A_106 = tpu.memref_slice %arg10[%add3A_99, %dma_wait3A_105] : memref<5136x128xf32, #tpu.memory_space<vmem_shared>> -> memref<16x128xf32, #tpu.memory_space<vmem_shared>>
        tpu.wait_dma2 semaphore(%run_scoped3A : memref<!tpu.dma_semaphore, #tpu.memory_space<semaphore_mem>>) src(%dma_wait3A_106 : memref<16x128xf32, #tpu.memory_space<vmem_shared>>) dst(%arg9 : memref<16x128xf32, #tpu.memory_space<vmem>>)
        tpu.yield
      }) : () -> ()
      "tpu.region"() ({
        %run_scoped3A = tpu.sem_alloc : memref<!tpu.dma_semaphore, #tpu.memory_space<semaphore_mem>>
        %dma_start3A_100 = arith.constant 0 : i32
        %dma_start3A_101 = tpu.memref_slice %arg5[%arg0, %add3A_99, %dma_start3A_100] : memref<2x5120x128xf32, #tpu.memory_space<hbm>> -> memref<1x16x128xf32, #tpu.memory_space<hbm>>
        %dma_start3A_102 = tpu.memref_squeeze %dma_start3A_101 : memref<1x16x128xf32, #tpu.memory_space<hbm>> -> memref<16x128xf32, #tpu.memory_space<hbm>>
        %dma_start3A_103 = arith.constant 0 : i32
        %dma_start3A_104 = tpu.memref_slice %arg5[%arg0, %add3A_99, %dma_start3A_103] : memref<2x5120x128xf32, #tpu.memory_space<hbm>> -> memref<1x16x128xf32, #tpu.memory_space<hbm>>
        %dma_start3A_105 = tpu.memref_squeeze %dma_start3A_104 : memref<1x16x128xf32, #tpu.memory_space<hbm>> -> memref<16x128xf32, #tpu.memory_space<hbm>>
        tpu.enqueue_dma source(%arg9 : memref<16x128xf32, #tpu.memory_space<vmem>>) target(%dma_start3A_105 : memref<16x128xf32, #tpu.memory_space<hbm>>) target_semaphore(%run_scoped3A : memref<!tpu.dma_semaphore, #tpu.memory_space<semaphore_mem>>)
        %dma_wait3A = arith.constant 0 : i32
        %dma_wait3A_106 = tpu.memref_slice %arg5[%arg0, %add3A_99, %dma_wait3A] : memref<2x5120x128xf32, #tpu.memory_space<hbm>> -> memref<1x16x128xf32, #tpu.memory_space<hbm>>
        %dma_wait3A_107 = tpu.memref_squeeze %dma_wait3A_106 : memref<1x16x128xf32, #tpu.memory_space<hbm>> -> memref<16x128xf32, #tpu.memory_space<hbm>>
        %dma_wait3A_108 = arith.constant 0 : i32
        %dma_wait3A_109 = tpu.memref_slice %arg5[%arg0, %add3A_99, %dma_wait3A_108] : memref<2x5120x128xf32, #tpu.memory_space<hbm>> -> memref<1x16x128xf32, #tpu.memory_space<hbm>>
        %dma_wait3A_110 = tpu.memref_squeeze %dma_wait3A_109 : memref<1x16x128xf32, #tpu.memory_space<hbm>> -> memref<16x128xf32, #tpu.memory_space<hbm>>
        tpu.wait_dma2 semaphore(%run_scoped3A : memref<!tpu.dma_semaphore, #tpu.memory_space<semaphore_mem>>) src(%arg9 : memref<16x128xf32, #tpu.memory_space<vmem>>) dst(%dma_wait3A_110 : memref<16x128xf32, #tpu.memory_space<hbm>>)
        tpu.yield
      }) : () -> ()
    }
    %scan3A_93 = arith.constant 20 : i32
    return
  }
}

module attributes {stable_mosaic.version = 14 : i64} {
  func.func @_edge_mlp_body(%arg0: i32, %arg1: memref<2000x128xf32, #tpu.memory_space<vmem>>, %arg2: memref<2000x128xf32, #tpu.memory_space<vmem>>, %arg3: memref<2000x16xf32, #tpu.memory_space<vmem>>, %arg4: memref<128x512xbf16, #tpu.memory_space<vmem>>, %arg5: memref<128x512xbf16, #tpu.memory_space<vmem>>, %arg6: memref<16x512xbf16, #tpu.memory_space<vmem>>, %arg7: memref<1x512xf32, #tpu.memory_space<vmem>>, %arg8: memref<512x16xbf16, #tpu.memory_space<vmem>>, %arg9: memref<1x16xf32, #tpu.memory_space<vmem>>, %arg10: memref<2000x128xf32, #tpu.memory_space<vmem>>, %arg11: memref<1x128xf32, #tpu.memory_space<vmem>>) attributes {dimension_semantics = [#tpu.dimension_semantics<arbitrary>], iteration_bounds = array<i64: 160>, scalar_prefetch = 0 : i64, scratch_operands = 0 : i64, tpu.core_type = #tpu.core_type<tc>, window_params = [{transform_indices = @transform_0, window_bounds = array<i64: 2000, 128>}, {transform_indices = @transform_1, window_bounds = array<i64: 2000, 128>}, {transform_indices = @transform_2, window_bounds = array<i64: 2000, 16>}, {pipeline_mode = #tpu.pipeline_mode<synchronous>, transform_indices = @transform_3, window_bounds = array<i64: 128, 512>}, {pipeline_mode = #tpu.pipeline_mode<synchronous>, transform_indices = @transform_4, window_bounds = array<i64: 128, 512>}, {pipeline_mode = #tpu.pipeline_mode<synchronous>, transform_indices = @transform_5, window_bounds = array<i64: 16, 512>}, {pipeline_mode = #tpu.pipeline_mode<synchronous>, transform_indices = @transform_6, window_bounds = array<i64: 1, 512>}, {pipeline_mode = #tpu.pipeline_mode<synchronous>, transform_indices = @transform_7, window_bounds = array<i64: 512, 16>}, {pipeline_mode = #tpu.pipeline_mode<synchronous>, transform_indices = @transform_8, window_bounds = array<i64: 1, 16>}, {transform_indices = @transform_9, window_bounds = array<i64: 2000, 128>}, {pipeline_mode = #tpu.pipeline_mode<synchronous>, transform_indices = @transform_10, window_bounds = array<i64: 1, 128>}]} {
    %get3A = arith.constant 0 : index
    %get3A_0 = arith.constant 0 : index
    %get3A_1 = vector.load %arg1[%get3A, %get3A_0] : memref<2000x128xf32, #tpu.memory_space<vmem>>, vector<2000x128xf32>
    %convert_element_type3A = arith.truncf %get3A_1 : vector<2000x128xf32> to vector<2000x128xbf16>
    %get3A_2 = arith.constant 0 : index
    %get3A_3 = arith.constant 0 : index
    %get3A_4 = vector.load %arg4[%get3A_2, %get3A_3] : memref<128x512xbf16, #tpu.memory_space<vmem>>, vector<128x512xbf16>
    %dot_general3A = arith.constant dense<0.000000e+00> : vector<2000x512xf32>
    %dot_general3A_5 = tpu.matmul %convert_element_type3A, %get3A_4, %dot_general3A {dimension_numbers = #tpu.dot_dimension_numbers<[1], [0], [0], [1], [0, 0, 1, 1], [], []>, transpose_lhs_hint = false} : vector<2000x128xbf16>, vector<128x512xbf16>, vector<2000x512xf32> -> vector<2000x512xf32>
    %get3A_6 = arith.constant 0 : index
    %get3A_7 = arith.constant 0 : index
    %get3A_8 = vector.load %arg2[%get3A_6, %get3A_7] : memref<2000x128xf32, #tpu.memory_space<vmem>>, vector<2000x128xf32>
    %convert_element_type3A_9 = arith.truncf %get3A_8 : vector<2000x128xf32> to vector<2000x128xbf16>
    %get3A_10 = arith.constant 0 : index
    %get3A_11 = arith.constant 0 : index
    %get3A_12 = vector.load %arg5[%get3A_10, %get3A_11] : memref<128x512xbf16, #tpu.memory_space<vmem>>, vector<128x512xbf16>
    %dot_general3A_13 = arith.constant dense<0.000000e+00> : vector<2000x512xf32>
    %dot_general3A_14 = tpu.matmul %convert_element_type3A_9, %get3A_12, %dot_general3A_13 {dimension_numbers = #tpu.dot_dimension_numbers<[1], [0], [0], [1], [0, 0, 1, 1], [], []>, transpose_lhs_hint = false} : vector<2000x128xbf16>, vector<128x512xbf16>, vector<2000x512xf32> -> vector<2000x512xf32>
    %add3A = arith.addf %dot_general3A_5, %dot_general3A_14 : vector<2000x512xf32>
    %get3A_15 = arith.constant 0 : index
    %get3A_16 = arith.constant 0 : index
    %get3A_17 = vector.load %arg3[%get3A_15, %get3A_16] : memref<2000x16xf32, #tpu.memory_space<vmem>>, vector<2000x16xf32>
    %convert_element_type3A_18 = arith.truncf %get3A_17 : vector<2000x16xf32> to vector<2000x16xbf16>
    %get3A_19 = arith.constant 0 : index
    %get3A_20 = arith.constant 0 : index
    %get3A_21 = vector.load %arg6[%get3A_19, %get3A_20] : memref<16x512xbf16, #tpu.memory_space<vmem>>, vector<16x512xbf16>
    %dot_general3A_22 = arith.constant dense<0.000000e+00> : vector<2000x512xf32>
    %dot_general3A_23 = tpu.matmul %convert_element_type3A_18, %get3A_21, %dot_general3A_22 {dimension_numbers = #tpu.dot_dimension_numbers<[1], [0], [0], [1], [0, 0, 1, 1], [], []>, transpose_lhs_hint = false} : vector<2000x16xbf16>, vector<16x512xbf16>, vector<2000x512xf32> -> vector<2000x512xf32>
    %add3A_24 = arith.addf %add3A, %dot_general3A_23 : vector<2000x512xf32>
    %get3A_25 = arith.constant 0 : index
    %get3A_26 = arith.constant 0 : index
    %get3A_27 = vector.load %arg7[%get3A_25, %get3A_26] : memref<1x512xf32, #tpu.memory_space<vmem>>, vector<1x512xf32>
    %add3A_28 = vector.broadcast %get3A_27 : vector<1x512xf32> to vector<2000x512xf32>
    %add3A_29 = arith.addf %add3A_24, %add3A_28 : vector<2000x512xf32>
    %logistic3A = arith.negf %add3A_29 : vector<2000x512xf32>
    %logistic3A_30 = math.exp %logistic3A : vector<2000x512xf32>
    %logistic3A_31 = arith.constant 1.000000e+00 : f32
    %logistic3A_32 = vector.broadcast %logistic3A_31 : f32 to vector<2000x512xf32>
    %logistic3A_33 = arith.addf %logistic3A_32, %logistic3A_30 : vector<2000x512xf32>
    %logistic3A_34 = arith.divf %logistic3A_32, %logistic3A_33 : vector<2000x512xf32>
    %mul3A = arith.mulf %add3A_29, %logistic3A_34 : vector<2000x512xf32>
    %convert_element_type3A_35 = arith.truncf %mul3A : vector<2000x512xf32> to vector<2000x512xbf16>
    %get3A_36 = arith.constant 0 : index
    %get3A_37 = arith.constant 0 : index
    %get3A_38 = vector.load %arg8[%get3A_36, %get3A_37] : memref<512x16xbf16, #tpu.memory_space<vmem>>, vector<512x16xbf16>
    %dot_general3A_39 = arith.constant dense<0.000000e+00> : vector<2000x16xf32>
    %dot_general3A_40 = tpu.matmul %convert_element_type3A_35, %get3A_38, %dot_general3A_39 {dimension_numbers = #tpu.dot_dimension_numbers<[1], [0], [0], [1], [0, 0, 1, 1], [], []>, transpose_lhs_hint = false} : vector<2000x512xbf16>, vector<512x16xbf16>, vector<2000x16xf32> -> vector<2000x16xf32>
    %get3A_41 = arith.constant 0 : index
    %get3A_42 = arith.constant 0 : index
    %get3A_43 = vector.load %arg9[%get3A_41, %get3A_42] : memref<1x16xf32, #tpu.memory_space<vmem>>, vector<1x16xf32>
    %add3A_44 = vector.broadcast %get3A_43 : vector<1x16xf32> to vector<2000x16xf32>
    %add3A_45 = arith.addf %dot_general3A_40, %add3A_44 : vector<2000x16xf32>
    %get3A_46 = arith.constant 0 : index
    %get3A_47 = arith.constant 0 : index
    %get3A_48 = vector.load %arg3[%get3A_46, %get3A_47] : memref<2000x16xf32, #tpu.memory_space<vmem>>, vector<2000x16xf32>
    %add3A_49 = arith.addf %get3A_48, %add3A_45 : vector<2000x16xf32>
    %broadcast_in_dim3A = arith.constant 1.000000e+00 : f32
    %broadcast_in_dim3A_50 = vector.broadcast %broadcast_in_dim3A : f32 to vector<2000x1xf32>
    %broadcast_in_dim3A_51 = arith.constant 0.000000e+00 : f32
    %broadcast_in_dim3A_52 = vector.broadcast %broadcast_in_dim3A_51 : f32 to vector<2000x15xf32>
    %broadcast_in_dim3A_53 = arith.constant 0.000000e+00 : f32
    %broadcast_in_dim3A_54 = vector.broadcast %broadcast_in_dim3A_53 : f32 to vector<2000x80xf32>
    %concatenate3A = tpu.concatenate %add3A_45, %broadcast_in_dim3A_50, %broadcast_in_dim3A_52, %add3A_49, %broadcast_in_dim3A_54 in 1 : vector<2000x16xf32>, vector<2000x1xf32>, vector<2000x15xf32>, vector<2000x16xf32>, vector<2000x80xf32> -> vector<2000x128xf32>
    %swap3A = arith.constant 0 : index
    %swap3A_55 = arith.constant 0 : index
    %swap3A_56 = vector.load %arg10[%swap3A, %swap3A_55] : memref<2000x128xf32, #tpu.memory_space<vmem>>, vector<2000x128xf32>
    tpu.vector_store %arg10[%swap3A, %swap3A_55], %concatenate3A {strides = array<i32>} : memref<2000x128xf32, #tpu.memory_space<vmem>>, vector<2000x128xf32>,
    %reduce_sum3A = vector.shape_cast %add3A_49 : vector<2000x16xf32> to vector<1x2000x16xf32>
    %reduce_sum3A_57 = arith.constant dense<0.000000e+00> : vector<1xf32>
    %reduce_sum3A_58 = vector.multi_reduction <add>, %reduce_sum3A, %reduce_sum3A_57 [1, 2] : vector<1x2000x16xf32> to vector<1xf32>
    %reduce_sum3A_59 = vector.shape_cast %reduce_sum3A_58 : vector<1xf32> to vector<1x1x1xf32>
    %reduce_sum3A_60 = vector.extract %reduce_sum3A_59[0, 0, 0] : f32 from vector<1x1x1xf32>
    %mul3A_61 = arith.mulf %add3A_49, %add3A_49 : vector<2000x16xf32>
    %reduce_sum3A_62 = vector.shape_cast %mul3A_61 : vector<2000x16xf32> to vector<1x2000x16xf32>
    %reduce_sum3A_63 = arith.constant dense<0.000000e+00> : vector<1xf32>
    %reduce_sum3A_64 = vector.multi_reduction <add>, %reduce_sum3A_62, %reduce_sum3A_63 [1, 2] : vector<1x2000x16xf32> to vector<1xf32>
    %reduce_sum3A_65 = vector.shape_cast %reduce_sum3A_64 : vector<1xf32> to vector<1x1x1xf32>
    %reduce_sum3A_66 = vector.extract %reduce_sum3A_65[0, 0, 0] : f32 from vector<1x1x1xf32>
    %iota3A = tpu.iota {dimensions = array<i32: 1>} : vector<1x128xi32>
    %eq3A = arith.constant 0 : i32
    %eq3A_67 = vector.broadcast %eq3A : i32 to vector<1x128xi32>
    %eq3A_68 = arith.cmpi eq, %iota3A, %eq3A_67 : vector<1x128xi32>
    %jit3A = arith.constant 0.000000e+00 : f32
    %broadcast_in_dim3A_69 = vector.broadcast %reduce_sum3A_60 : f32 to vector<1x128xf32>
    %broadcast_in_dim3A_70 = vector.broadcast %jit3A : f32 to vector<1x128xf32>
    %select_n3A = arith.select %eq3A_68, %broadcast_in_dim3A_69, %broadcast_in_dim3A_70 : vector<1x128xi1>, vector<1x128xf32>
    %eq3A_71 = arith.constant 1 : i32
    %eq3A_72 = vector.broadcast %eq3A_71 : i32 to vector<1x128xi32>
    %eq3A_73 = arith.cmpi eq, %iota3A, %eq3A_72 : vector<1x128xi32>
    %jit3A_74 = arith.constant 0.000000e+00 : f32
    %broadcast_in_dim3A_75 = vector.broadcast %reduce_sum3A_66 : f32 to vector<1x128xf32>
    %broadcast_in_dim3A_76 = vector.broadcast %jit3A_74 : f32 to vector<1x128xf32>
    %select_n3A_77 = arith.select %eq3A_73, %broadcast_in_dim3A_75, %broadcast_in_dim3A_76 : vector<1x128xi1>, vector<1x128xf32>
    %add3A_78 = arith.addf %select_n3A, %select_n3A_77 : vector<1x128xf32>
    %eq3A_79 = arith.constant 0 : i32
    %eq3A_80 = arith.cmpi eq, %arg0, %eq3A_79 : i32
    %convert_element_type3A_81 = arith.extui %eq3A_80 : i1 to i32
    %cond3A = arith.constant 0 : i32
    %cond3A_82 = arith.cmpi ne, %convert_element_type3A_81, %cond3A : i32
    scf.if %cond3A_82 {
      %broadcast_in_dim3A_90 = arith.constant 0.000000e+00 : f32
      %broadcast_in_dim3A_91 = vector.broadcast %broadcast_in_dim3A_90 : f32 to vector<1x128xf32>
      %swap3A_92 = arith.constant 0 : index
      %swap3A_93 = arith.constant 0 : index
      %swap3A_94 = vector.load %arg11[%swap3A_92, %swap3A_93] : memref<1x128xf32, #tpu.memory_space<vmem>>, vector<1x128xf32>
      tpu.vector_store %arg11[%swap3A_92, %swap3A_93], %broadcast_in_dim3A_91 {strides = array<i32>} : memref<1x128xf32, #tpu.memory_space<vmem>>, vector<1x128xf32>,
    } else {
    }
    %get3A_83 = arith.constant 0 : index
    %get3A_84 = arith.constant 0 : index
    %get3A_85 = vector.load %arg11[%get3A_83, %get3A_84] : memref<1x128xf32, #tpu.memory_space<vmem>>, vector<1x128xf32>
    %add3A_86 = arith.addf %get3A_85, %add3A_78 : vector<1x128xf32>
    %swap3A_87 = arith.constant 0 : index
    %swap3A_88 = arith.constant 0 : index
    %swap3A_89 = vector.load %arg11[%swap3A_87, %swap3A_88] : memref<1x128xf32, #tpu.memory_space<vmem>>, vector<1x128xf32>
    tpu.vector_store %arg11[%swap3A_87, %swap3A_88], %add3A_86 {strides = array<i32>} : memref<1x128xf32, #tpu.memory_space<vmem>>, vector<1x128xf32>,
    return
  }
  func.func @transform_0(%arg0: i32) -> (i32, i32) {
    %c0_i32 = arith.constant 0 : i32
    %c0_i32_0 = arith.constant 0 : i32
    return %arg0, %c0_i32 : i32, i32
  }
  func.func @transform_1(%arg0: i32) -> (i32, i32) {
    %c0_i32 = arith.constant 0 : i32
    %c0_i32_0 = arith.constant 0 : i32
    return %arg0, %c0_i32 : i32, i32
  }
  func.func @transform_2(%arg0: i32) -> (i32, i32) {
    %c0_i32 = arith.constant 0 : i32
    %c0_i32_0 = arith.constant 0 : i32
    return %arg0, %c0_i32 : i32, i32
  }
  func.func @transform_3(%arg0: i32) -> (i32, i32) {
    %c0_i32 = arith.constant 0 : i32
    %c0_i32_0 = arith.constant 0 : i32
    %c0_i32_1 = arith.constant 0 : i32
    return %c0_i32, %c0_i32_0 : i32, i32
  }
  func.func @transform_4(%arg0: i32) -> (i32, i32) {
    %c0_i32 = arith.constant 0 : i32
    %c0_i32_0 = arith.constant 0 : i32
    %c0_i32_1 = arith.constant 0 : i32
    return %c0_i32, %c0_i32_0 : i32, i32
  }
  func.func @transform_5(%arg0: i32) -> (i32, i32) {
    %c0_i32 = arith.constant 0 : i32
    %c0_i32_0 = arith.constant 0 : i32
    %c0_i32_1 = arith.constant 0 : i32
    return %c0_i32, %c0_i32_0 : i32, i32
  }
  func.func @transform_6(%arg0: i32) -> (i32, i32) {
    %c0_i32 = arith.constant 0 : i32
    %c0_i32_0 = arith.constant 0 : i32
    %c0_i32_1 = arith.constant 0 : i32
    return %c0_i32, %c0_i32_0 : i32, i32
  }
  func.func @transform_7(%arg0: i32) -> (i32, i32) {
    %c0_i32 = arith.constant 0 : i32
    %c0_i32_0 = arith.constant 0 : i32
    %c0_i32_1 = arith.constant 0 : i32
    return %c0_i32, %c0_i32_0 : i32, i32
  }
  func.func @transform_8(%arg0: i32) -> (i32, i32) {
    %c0_i32 = arith.constant 0 : i32
    %c0_i32_0 = arith.constant 0 : i32
    %c0_i32_1 = arith.constant 0 : i32
    return %c0_i32, %c0_i32_0 : i32, i32
  }
  func.func @transform_9(%arg0: i32) -> (i32, i32) {
    %c0_i32 = arith.constant 0 : i32
    %c0_i32_0 = arith.constant 0 : i32
    return %arg0, %c0_i32 : i32, i32
  }
  func.func @transform_10(%arg0: i32) -> (i32, i32) {
    %c0_i32 = arith.constant 0 : i32
    %c0_i32_0 = arith.constant 0 : i32
    %c0_i32_1 = arith.constant 0 : i32
    return %c0_i32, %c0_i32_0 : i32, i32
  }
}

module attributes {stable_mosaic.version = 14 : i64} {
  func.func @_edge_norm_body(%arg0: i32, %arg1: memref<2000x128xf32, #tpu.memory_space<vmem>>, %arg2: memref<1x128xf32, #tpu.memory_space<vmem>>, %arg3: memref<1x16xf32, #tpu.memory_space<vmem>>, %arg4: memref<1x16xf32, #tpu.memory_space<vmem>>, %arg5: memref<2000x16xf32, #tpu.memory_space<vmem>>) attributes {dimension_semantics = [#tpu.dimension_semantics<arbitrary>], iteration_bounds = array<i64: 160>, scalar_prefetch = 0 : i64, scratch_operands = 0 : i64, tpu.core_type = #tpu.core_type<tc>, window_params = [{transform_indices = @transform_0, window_bounds = array<i64: 2000, 128>}, {pipeline_mode = #tpu.pipeline_mode<synchronous>, transform_indices = @transform_1, window_bounds = array<i64: 1, 128>}, {pipeline_mode = #tpu.pipeline_mode<synchronous>, transform_indices = @transform_2, window_bounds = array<i64: 1, 16>}, {pipeline_mode = #tpu.pipeline_mode<synchronous>, transform_indices = @transform_3, window_bounds = array<i64: 1, 16>}, {transform_indices = @transform_4, window_bounds = array<i64: 2000, 16>}]} {
    %get3A = arith.constant 0 : index
    %get3A_0 = arith.constant 0 : index
    %get3A_1 = vector.load %arg2[%get3A, %get3A_0] : memref<1x128xf32, #tpu.memory_space<vmem>>, vector<1x128xf32>
    %iota3A = tpu.iota {dimensions = array<i32: 1>} : vector<1x128xi32>
    %eq3A = arith.constant 0 : i32
    %eq3A_2 = vector.broadcast %eq3A : i32 to vector<1x128xi32>
    %eq3A_3 = arith.cmpi eq, %iota3A, %eq3A_2 : vector<1x128xi32>
    %jit3A = arith.constant 0.000000e+00 : f32
    %broadcast_in_dim3A = vector.broadcast %jit3A : f32 to vector<1x128xf32>
    %select_n3A = arith.select %eq3A_3, %get3A_1, %broadcast_in_dim3A : vector<1x128xi1>, vector<1x128xf32>
    %reduce_sum3A = vector.shape_cast %select_n3A : vector<1x128xf32> to vector<1x1x128xf32>
    %reduce_sum3A_4 = arith.constant dense<0.000000e+00> : vector<1xf32>
    %reduce_sum3A_5 = vector.multi_reduction <add>, %reduce_sum3A, %reduce_sum3A_4 [1, 2] : vector<1x1x128xf32> to vector<1xf32>
    %reduce_sum3A_6 = vector.shape_cast %reduce_sum3A_5 : vector<1xf32> to vector<1x1x1xf32>
    %reduce_sum3A_7 = vector.extract %reduce_sum3A_6[0, 0, 0] : f32 from vector<1x1x1xf32>
    %eq3A_8 = arith.constant 1 : i32
    %eq3A_9 = vector.broadcast %eq3A_8 : i32 to vector<1x128xi32>
    %eq3A_10 = arith.cmpi eq, %iota3A, %eq3A_9 : vector<1x128xi32>
    %jit3A_11 = arith.constant 0.000000e+00 : f32
    %broadcast_in_dim3A_12 = vector.broadcast %jit3A_11 : f32 to vector<1x128xf32>
    %select_n3A_13 = arith.select %eq3A_10, %get3A_1, %broadcast_in_dim3A_12 : vector<1x128xi1>, vector<1x128xf32>
    %reduce_sum3A_14 = vector.shape_cast %select_n3A_13 : vector<1x128xf32> to vector<1x1x128xf32>
    %reduce_sum3A_15 = arith.constant dense<0.000000e+00> : vector<1xf32>
    %reduce_sum3A_16 = vector.multi_reduction <add>, %reduce_sum3A_14, %reduce_sum3A_15 [1, 2] : vector<1x1x128xf32> to vector<1xf32>
    %reduce_sum3A_17 = vector.shape_cast %reduce_sum3A_16 : vector<1xf32> to vector<1x1x1xf32>
    %reduce_sum3A_18 = vector.extract %reduce_sum3A_17[0, 0, 0] : f32 from vector<1x1x1xf32>
    %div3A = arith.constant 5.120000e+06 : f32
    %div3A_19 = arith.divf %reduce_sum3A_7, %div3A : f32
    %div3A_20 = arith.constant 5.120000e+06 : f32
    %div3A_21 = arith.divf %reduce_sum3A_18, %div3A_20 : f32
    %mul3A = arith.mulf %div3A_19, %div3A_19 : f32
    %sub3A = arith.subf %div3A_21, %mul3A : f32
    %max3A = arith.constant 0.000000e+00 : f32
    %max3A_22 = arith.maximumf %sub3A, %max3A : f32
    %sqrt3A = math.sqrt %max3A_22 : f32
    %add3A = arith.constant 9.99999974E-6 : f32
    %add3A_23 = arith.addf %sqrt3A, %add3A : f32
    %div3A_24 = arith.constant 1.000000e+00 : f32
    %div3A_25 = arith.divf %div3A_24, %add3A_23 : f32
    %get3A_26 = arith.constant 0 : index
    %get3A_27 = arith.constant 32 : index
    %get3A_28 = vector.load %arg1[%get3A_26, %get3A_27] : memref<2000x128xf32, #tpu.memory_space<vmem>>, vector<2000x16xf32>
    %sub3A_29 = vector.broadcast %div3A_19 : f32 to vector<2000x16xf32>
    %sub3A_30 = arith.subf %get3A_28, %sub3A_29 : vector<2000x16xf32>
    %mul3A_31 = vector.broadcast %div3A_25 : f32 to vector<2000x16xf32>
    %mul3A_32 = arith.mulf %sub3A_30, %mul3A_31 : vector<2000x16xf32>
    %get3A_33 = arith.constant 0 : index
    %get3A_34 = arith.constant 0 : index
    %get3A_35 = vector.load %arg3[%get3A_33, %get3A_34] : memref<1x16xf32, #tpu.memory_space<vmem>>, vector<1x16xf32>
    %mul3A_36 = vector.broadcast %get3A_35 : vector<1x16xf32> to vector<2000x16xf32>
    %mul3A_37 = arith.mulf %mul3A_32, %mul3A_36 : vector<2000x16xf32>
    %get3A_38 = arith.constant 0 : index
    %get3A_39 = arith.constant 0 : index
    %get3A_40 = vector.load %arg4[%get3A_38, %get3A_39] : memref<1x16xf32, #tpu.memory_space<vmem>>, vector<1x16xf32>
    %add3A_41 = vector.broadcast %get3A_40 : vector<1x16xf32> to vector<2000x16xf32>
    %add3A_42 = arith.addf %mul3A_37, %add3A_41 : vector<2000x16xf32>
    %swap3A = arith.constant 0 : index
    %swap3A_43 = arith.constant 0 : index
    %swap3A_44 = vector.load %arg5[%swap3A, %swap3A_43] : memref<2000x16xf32, #tpu.memory_space<vmem>>, vector<2000x16xf32>
    tpu.vector_store %arg5[%swap3A, %swap3A_43], %add3A_42 {strides = array<i32>} : memref<2000x16xf32, #tpu.memory_space<vmem>>, vector<2000x16xf32>,
    return
  }
  func.func @transform_0(%arg0: i32) -> (i32, i32) {
    %c0_i32 = arith.constant 0 : i32
    %c0_i32_0 = arith.constant 0 : i32
    return %arg0, %c0_i32 : i32, i32
  }
  func.func @transform_1(%arg0: i32) -> (i32, i32) {
    %c0_i32 = arith.constant 0 : i32
    %c0_i32_0 = arith.constant 0 : i32
    %c0_i32_1 = arith.constant 0 : i32
    return %c0_i32, %c0_i32_0 : i32, i32
  }
  func.func @transform_2(%arg0: i32) -> (i32, i32) {
    %c0_i32 = arith.constant 0 : i32
    %c0_i32_0 = arith.constant 0 : i32
    %c0_i32_1 = arith.constant 0 : i32
    return %c0_i32, %c0_i32_0 : i32, i32
  }
  func.func @transform_3(%arg0: i32) -> (i32, i32) {
    %c0_i32 = arith.constant 0 : i32
    %c0_i32_0 = arith.constant 0 : i32
    %c0_i32_1 = arith.constant 0 : i32
    return %c0_i32, %c0_i32_0 : i32, i32
  }
  func.func @transform_4(%arg0: i32) -> (i32, i32) {
    %c0_i32 = arith.constant 0 : i32
    %c0_i32_0 = arith.constant 0 : i32
    return %arg0, %c0_i32 : i32, i32
  }
}

module attributes {stable_mosaic.version = 14 : i64} {
  func.func @_node_body(%arg0: i32, %arg1: memref<1000x128xf32, #tpu.memory_space<vmem>>, %arg2: memref<1000x128xf32, #tpu.memory_space<vmem>>, %arg3: memref<128x512xf32, #tpu.memory_space<vmem>>, %arg4: memref<16x512xf32, #tpu.memory_space<vmem>>, %arg5: memref<1x512xf32, #tpu.memory_space<vmem>>, %arg6: memref<512x128xf32, #tpu.memory_space<vmem>>, %arg7: memref<1x128xf32, #tpu.memory_space<vmem>>, %arg8: memref<1x128xf32, #tpu.memory_space<vmem>>, %arg9: memref<1x128xf32, #tpu.memory_space<vmem>>, %arg10: memref<1000x128xf32, #tpu.memory_space<vmem>>) attributes {dimension_semantics = [#tpu.dimension_semantics<arbitrary>], iteration_bounds = array<i64: 10>, scalar_prefetch = 0 : i64, scratch_operands = 0 : i64, tpu.core_type = #tpu.core_type<tc>, window_params = [{transform_indices = @transform_0, window_bounds = array<i64: 1000, 128>}, {transform_indices = @transform_1, window_bounds = array<i64: 1000, 128>}, {pipeline_mode = #tpu.pipeline_mode<synchronous>, transform_indices = @transform_2, window_bounds = array<i64: 128, 512>}, {pipeline_mode = #tpu.pipeline_mode<synchronous>, transform_indices = @transform_3, window_bounds = array<i64: 16, 512>}, {pipeline_mode = #tpu.pipeline_mode<synchronous>, transform_indices = @transform_4, window_bounds = array<i64: 1, 512>}, {pipeline_mode = #tpu.pipeline_mode<synchronous>, transform_indices = @transform_5, window_bounds = array<i64: 512, 128>}, {pipeline_mode = #tpu.pipeline_mode<synchronous>, transform_indices = @transform_6, window_bounds = array<i64: 1, 128>}, {pipeline_mode = #tpu.pipeline_mode<synchronous>, transform_indices = @transform_7, window_bounds = array<i64: 1, 128>}, {pipeline_mode = #tpu.pipeline_mode<synchronous>, transform_indices = @transform_8, window_bounds = array<i64: 1, 128>}, {transform_indices = @transform_9, window_bounds = array<i64: 1000, 128>}]} {
    %get3A = arith.constant 0 : index
    %get3A_0 = arith.constant 0 : index
    %get3A_1 = vector.load %arg2[%get3A, %get3A_0] : memref<1000x128xf32, #tpu.memory_space<vmem>>, vector<1000x128xf32>
    %slice3A = vector.extract_strided_slice %get3A_1 {offsets = [0, 0], sizes = [1000, 16], strides = [1, 1]} : vector<1000x128xf32> to vector<1000x16xf32>
    %slice3A_2 = vector.extract_strided_slice %get3A_1 {offsets = [0, 16], sizes = [1000, 1], strides = [1, 1]} : vector<1000x128xf32> to vector<1000x1xf32>
    %max3A = arith.constant 1.000000e+00 : f32
    %max3A_3 = vector.broadcast %max3A : f32 to vector<1000x1xf32>
    %max3A_4 = arith.maximumf %slice3A_2, %max3A_3 : vector<1000x1xf32>
    %div3A = vector.broadcast %max3A_4 : vector<1000x1xf32> to vector<1000x16xf32>
    %div3A_5 = arith.divf %slice3A, %div3A : vector<1000x16xf32>
    %get3A_6 = arith.constant 0 : index
    %get3A_7 = arith.constant 0 : index
    %get3A_8 = vector.load %arg1[%get3A_6, %get3A_7] : memref<1000x128xf32, #tpu.memory_space<vmem>>, vector<1000x128xf32>
    %get3A_9 = arith.constant 0 : index
    %get3A_10 = arith.constant 0 : index
    %get3A_11 = vector.load %arg3[%get3A_9, %get3A_10] : memref<128x512xf32, #tpu.memory_space<vmem>>, vector<128x512xf32>
    %dot_general3A = arith.constant dense<0.000000e+00> : vector<1000x512xf32>
    %dot_general3A_12 = tpu.matmul %get3A_8, %get3A_11, %dot_general3A {dimension_numbers = #tpu.dot_dimension_numbers<[1], [0], [0], [1], [0, 0, 1, 1], [], []>, transpose_lhs_hint = false} : vector<1000x128xf32>, vector<128x512xf32>, vector<1000x512xf32> -> vector<1000x512xf32>
    %get3A_13 = arith.constant 0 : index
    %get3A_14 = arith.constant 0 : index
    %get3A_15 = vector.load %arg4[%get3A_13, %get3A_14] : memref<16x512xf32, #tpu.memory_space<vmem>>, vector<16x512xf32>
    %dot_general3A_16 = arith.constant dense<0.000000e+00> : vector<1000x512xf32>
    %dot_general3A_17 = tpu.matmul %div3A_5, %get3A_15, %dot_general3A_16 {dimension_numbers = #tpu.dot_dimension_numbers<[1], [0], [0], [1], [0, 0, 1, 1], [], []>, transpose_lhs_hint = false} : vector<1000x16xf32>, vector<16x512xf32>, vector<1000x512xf32> -> vector<1000x512xf32>
    %add3A = arith.addf %dot_general3A_12, %dot_general3A_17 : vector<1000x512xf32>
    %get3A_18 = arith.constant 0 : index
    %get3A_19 = arith.constant 0 : index
    %get3A_20 = vector.load %arg5[%get3A_18, %get3A_19] : memref<1x512xf32, #tpu.memory_space<vmem>>, vector<1x512xf32>
    %add3A_21 = vector.broadcast %get3A_20 : vector<1x512xf32> to vector<1000x512xf32>
    %add3A_22 = arith.addf %add3A, %add3A_21 : vector<1000x512xf32>
    %logistic3A = arith.negf %add3A_22 : vector<1000x512xf32>
    %logistic3A_23 = math.exp %logistic3A : vector<1000x512xf32>
    %logistic3A_24 = arith.constant 1.000000e+00 : f32
    %logistic3A_25 = vector.broadcast %logistic3A_24 : f32 to vector<1000x512xf32>
    %logistic3A_26 = arith.addf %logistic3A_25, %logistic3A_23 : vector<1000x512xf32>
    %logistic3A_27 = arith.divf %logistic3A_25, %logistic3A_26 : vector<1000x512xf32>
    %mul3A = arith.mulf %add3A_22, %logistic3A_27 : vector<1000x512xf32>
    %get3A_28 = arith.constant 0 : index
    %get3A_29 = arith.constant 0 : index
    %get3A_30 = vector.load %arg6[%get3A_28, %get3A_29] : memref<512x128xf32, #tpu.memory_space<vmem>>, vector<512x128xf32>
    %dot_general3A_31 = arith.constant dense<0.000000e+00> : vector<1000x128xf32>
    %dot_general3A_32 = tpu.matmul %mul3A, %get3A_30, %dot_general3A_31 {dimension_numbers = #tpu.dot_dimension_numbers<[1], [0], [0], [1], [0, 0, 1, 1], [], []>, transpose_lhs_hint = false} : vector<1000x512xf32>, vector<512x128xf32>, vector<1000x128xf32> -> vector<1000x128xf32>
    %get3A_33 = arith.constant 0 : index
    %get3A_34 = arith.constant 0 : index
    %get3A_35 = vector.load %arg7[%get3A_33, %get3A_34] : memref<1x128xf32, #tpu.memory_space<vmem>>, vector<1x128xf32>
    %add3A_36 = vector.broadcast %get3A_35 : vector<1x128xf32> to vector<1000x128xf32>
    %add3A_37 = arith.addf %dot_general3A_32, %add3A_36 : vector<1000x128xf32>
    %get3A_38 = arith.constant 0 : index
    %get3A_39 = arith.constant 0 : index
    %get3A_40 = vector.load %arg1[%get3A_38, %get3A_39] : memref<1000x128xf32, #tpu.memory_space<vmem>>, vector<1000x128xf32>
    %add3A_41 = arith.addf %get3A_40, %add3A_37 : vector<1000x128xf32>
    %reduce_sum3A = arith.constant dense<0.000000e+00> : vector<1000xf32>
    %reduce_sum3A_42 = vector.multi_reduction <add>, %add3A_41, %reduce_sum3A [1] : vector<1000x128xf32> to vector<1000xf32>
    %broadcast_in_dim3A = vector.shape_cast %reduce_sum3A_42 : vector<1000xf32> to vector<1000x1xf32>
    %div3A_43 = arith.constant 1.280000e+02 : f32
    %div3A_44 = vector.broadcast %div3A_43 : f32 to vector<1000x1xf32>
    %div3A_45 = arith.divf %broadcast_in_dim3A, %div3A_44 : vector<1000x1xf32>
    %sub3A = vector.broadcast %div3A_45 : vector<1000x1xf32> to vector<1000x128xf32>
    %sub3A_46 = arith.subf %add3A_41, %sub3A : vector<1000x128xf32>
    %mul3A_47 = arith.mulf %sub3A_46, %sub3A_46 : vector<1000x128xf32>
    %reduce_sum3A_48 = arith.constant dense<0.000000e+00> : vector<1000xf32>
    %reduce_sum3A_49 = vector.multi_reduction <add>, %mul3A_47, %reduce_sum3A_48 [1] : vector<1000x128xf32> to vector<1000xf32>
    %broadcast_in_dim3A_50 = vector.shape_cast %reduce_sum3A_49 : vector<1000xf32> to vector<1000x1xf32>
    %div3A_51 = arith.constant 1.280000e+02 : f32
    %div3A_52 = vector.broadcast %div3A_51 : f32 to vector<1000x1xf32>
    %div3A_53 = arith.divf %broadcast_in_dim3A_50, %div3A_52 : vector<1000x1xf32>
    %add3A_54 = arith.constant 9.99999974E-6 : f32
    %add3A_55 = vector.broadcast %add3A_54 : f32 to vector<1000x1xf32>
    %add3A_56 = arith.addf %div3A_53, %add3A_55 : vector<1000x1xf32>
    %rsqrt3A = math.rsqrt %add3A_56 : vector<1000x1xf32>
    %mul3A_57 = vector.broadcast %rsqrt3A : vector<1000x1xf32> to vector<1000x128xf32>
    %mul3A_58 = arith.mulf %sub3A_46, %mul3A_57 : vector<1000x128xf32>
    %get3A_59 = arith.constant 0 : index
    %get3A_60 = arith.constant 0 : index
    %get3A_61 = vector.load %arg8[%get3A_59, %get3A_60] : memref<1x128xf32, #tpu.memory_space<vmem>>, vector<1x128xf32>
    %mul3A_62 = vector.broadcast %get3A_61 : vector<1x128xf32> to vector<1000x128xf32>
    %mul3A_63 = arith.mulf %mul3A_58, %mul3A_62 : vector<1000x128xf32>
    %get3A_64 = arith.constant 0 : index
    %get3A_65 = arith.constant 0 : index
    %get3A_66 = vector.load %arg9[%get3A_64, %get3A_65] : memref<1x128xf32, #tpu.memory_space<vmem>>, vector<1x128xf32>
    %add3A_67 = vector.broadcast %get3A_66 : vector<1x128xf32> to vector<1000x128xf32>
    %add3A_68 = arith.addf %mul3A_63, %add3A_67 : vector<1000x128xf32>
    %swap3A = arith.constant 0 : index
    %swap3A_69 = arith.constant 0 : index
    %swap3A_70 = vector.load %arg10[%swap3A, %swap3A_69] : memref<1000x128xf32, #tpu.memory_space<vmem>>, vector<1000x128xf32>
    tpu.vector_store %arg10[%swap3A, %swap3A_69], %add3A_68 {strides = array<i32>} : memref<1000x128xf32, #tpu.memory_space<vmem>>, vector<1000x128xf32>,
    return
  }
  func.func @transform_0(%arg0: i32) -> (i32, i32) {
    %c0_i32 = arith.constant 0 : i32
    %c0_i32_0 = arith.constant 0 : i32
    return %arg0, %c0_i32 : i32, i32
  }
  func.func @transform_1(%arg0: i32) -> (i32, i32) {
    %c0_i32 = arith.constant 0 : i32
    %c0_i32_0 = arith.constant 0 : i32
    return %arg0, %c0_i32 : i32, i32
  }
  func.func @transform_2(%arg0: i32) -> (i32, i32) {
    %c0_i32 = arith.constant 0 : i32
    %c0_i32_0 = arith.constant 0 : i32
    %c0_i32_1 = arith.constant 0 : i32
    return %c0_i32, %c0_i32_0 : i32, i32
  }
  func.func @transform_3(%arg0: i32) -> (i32, i32) {
    %c0_i32 = arith.constant 0 : i32
    %c0_i32_0 = arith.constant 0 : i32
    %c0_i32_1 = arith.constant 0 : i32
    return %c0_i32, %c0_i32_0 : i32, i32
  }
  func.func @transform_4(%arg0: i32) -> (i32, i32) {
    %c0_i32 = arith.constant 0 : i32
    %c0_i32_0 = arith.constant 0 : i32
    %c0_i32_1 = arith.constant 0 : i32
    return %c0_i32, %c0_i32_0 : i32, i32
  }
  func.func @transform_5(%arg0: i32) -> (i32, i32) {
    %c0_i32 = arith.constant 0 : i32
    %c0_i32_0 = arith.constant 0 : i32
    %c0_i32_1 = arith.constant 0 : i32
    return %c0_i32, %c0_i32_0 : i32, i32
  }
  func.func @transform_6(%arg0: i32) -> (i32, i32) {
    %c0_i32 = arith.constant 0 : i32
    %c0_i32_0 = arith.constant 0 : i32
    %c0_i32_1 = arith.constant 0 : i32
    return %c0_i32, %c0_i32_0 : i32, i32
  }
  func.func @transform_7(%arg0: i32) -> (i32, i32) {
    %c0_i32 = arith.constant 0 : i32
    %c0_i32_0 = arith.constant 0 : i32
    %c0_i32_1 = arith.constant 0 : i32
    return %c0_i32, %c0_i32_0 : i32, i32
  }
  func.func @transform_8(%arg0: i32) -> (i32, i32) {
    %c0_i32 = arith.constant 0 : i32
    %c0_i32_0 = arith.constant 0 : i32
    %c0_i32_1 = arith.constant 0 : i32
    return %c0_i32, %c0_i32_0 : i32, i32
  }
  func.func @transform_9(%arg0: i32) -> (i32, i32) {
    %c0_i32 = arith.constant 0 : i32
    %c0_i32_0 = arith.constant 0 : i32
    return %arg0, %c0_i32 : i32, i32
  }
}

</mosaic_0001>

<sc_bundles>
// kernel: kernel.10.cloned.1.call-start
scs
__scs_entry_jumppad:
0x0: {  	(pc) =	sbr.rel $0x88, $3  }
0x1: {  	(tag) =	ssettag $0x0;
	lr =	simm.s32 $0x1  }
0x2: {  	[smem:$0x3F92] =	sst lr;
	_ =	strace $0xD0000000  }
0x3: {  	_ = 	snop  }
0x4: {  	_ = 	snop  }
0x5: {  	_ = 	snop  }
0x6: {  	_ = 	snop  }
0x7: {  	_ = 	snop  }
__scs_overlays_trampoline_lowered:
0x8: {  	[smem:$0x3FA1] =	sst s0  }
0x9: {  	[smem:$0x3FA2] =	sst s1  }
0xa: {  	[smem:$0x3FA3] =	sst s2  }
0xb: {  	[smem:$0x3FA4] =	sst s3  }
0xc: {  	[smem:$0x3FA5] =	sst s4  }
0xd: {  	[smem:$0x3FA6] =	sst s5  }
0xe: {  	[smem:$0x3FA7] =	sst s6  }
0xf: {  	[smem:$0x3FA8] =	sst s7  }
0x10: {  	[smem:$0x3FA9] =	sst s8  }
0x11: {  	[smem:$0x3FAA] =	sst s9;
	s0 =	simm.s32 @!p0 $0x0  }
0x12: {  	s1 =	sld [smem:$0x3F90];
	s0 =	simm.s32 @p0 $0x1  }
0x13: {  	[smem:$0x3FAB] =	sst s0;
	s0 =	simm.s32 @!p1 $0x0  }
0x14: {  	s2 =	sld [smem:$0x3F8F];
	s0 =	simm.s32 @p1 $0x1  }
0x15: {  	[smem:$0x3FAC] =	sst s0;
	s0 =	simm.s32 @!p2 $0x0  }
0x16: {  	s3 =	sld [smem:$0x3FDB];
	s0 =	simm.s32 @p2 $0x1  }
0x17: {  	s4 =	simm.s32 $0x1BF5;
	[smem:$0x3FAE] =	sst s0  }
0x18: {  	s0 =	sld [smem:$0x3F91];
	_ =	swait.ge [sflag:s4], $0x0  }
0x19: {  	s7 =	sld [smem:$0x3F92]  }
0x1a: {  	s8 =	sadd.s32 $0xFFFFE003, lr  }
0x1b: {  	s9 =	sadd.s32 $0xFFFFFEF7, lr;
	s5 =	simm.s32 $0xFFFFFFFF;
	p2 =	slt.u32 s8, $0xFFFFF086  }
0x1c: {  	p1 =	slt.u32 s9, $0xF7A;
	s5 =	simm.s32 @!p2 $0x0  }
0x1d: {  	s5 =	simm.s32 @p1 $0x1;
	p0 =	seq.s32 s7, s2  }
0x1e: {  	s7 =	smul.u32 @!p0 $0xF7A, s2;
	p2 =	seq.s32 @!p0 s5, $0x0  }
0x1f: {  	s9 =	smul.u32 $0xF7A, s1;
	s8 =	simm.s32 @!p0 $0x1BF5;
	p2 =	por !p2, p0  }
0x20: {  	[sflag:s8] =	ssyncset.s32 @!p0 $0xFFFFF086;
	s6 =	sadd.s32 @!p0 s3, s7;
	s7 =	simm.s32 @!p0 $0x108  }
0x21: {  	s3 =	sadd.s32 s3, s9;
	s6 =	sadd.s32 @!p0 $0x88, s6;
	s7 =	simm.s32 @p2 $0x1082  }
0x22: {  	[simem:s7], [sflag:s8] =	dma.local @!p0 [hbm:s6], $0xF7A  }
0x23: {  	s9 =	sor.u32 $0xD0000000, s2;
	s6 =	simm.s32 $0x108;
	_ =	swait.ge @!p0 [sflag:s8], $0x0  }
0x24: {  	s3 =	sadd.s32 $0x88, s3;
	s6 =	simm.s32 @!p1 $0x1082;
	[sflag:s4] =	ssyncset.s32 $0xFFFFF086  }
0x25: {  	[simem:s6], [sflag:s4] =	dma.local [hbm:s3], $0xF7A  }
0x26: {  	[smem:$0x3F92] =	sst s1;
	(tag) =	ssettag s2;
	_ =	strace s9  }
0x27: {  	s1 =	sld [smem:$0x3FA2]  }
0x28: {  	s2 =	sld [smem:$0x3FA3]  }
0x29: {  	s4 =	sld [smem:$0x3FA5]  }
0x2a: {  	p0 =	seq.s32 s5, $0x0;
	s5 =	sld [smem:$0x3FA6]  }
0x2b: {  	s6 =	sld [smem:$0x3FA7]  }
0x2c: {  	s7 =	sld [smem:$0x3FA8]  }
0x2d: {  	s3 =	simm.s32 $0x108;
	s8 =	sld [smem:$0x3FA9]  }
0x2e: {  	s3 =	simm.s32 @!p0 $0x1082;
	s9 =	sld [smem:$0x3FAA]  }
0x2f: {  	lr =	sadd.s32 s0, s3;
	s0 =	sld [smem:$0x3FA1]  }
0x30: {  	s3 =	sld [smem:$0x3FA4]  }
0x31: {  	[smem:$0x3FAD] =	sst s10  }
0x32: {  	s10 =	sld [smem:$0x3FAB];
	_ =	sdelay $0x3  }
0x33: {  	p0 =	seq.s32 s10, $0x1;
	s10 =	sld [smem:$0x3FAD];
	_ =	sdelay $0x3  }
0x34: {  	[smem:$0x3FAD] =	sst s10  }
0x35: {  	s10 =	sld [smem:$0x3FAC];
	_ =	sdelay $0x3  }
0x36: {  	p1 =	seq.s32 s10, $0x1;
	s10 =	sld [smem:$0x3FAD];
	_ =	sdelay $0x3  }
0x37: {  	[smem:$0x3FAD] =	sst s10  }
0x38: {  	s10 =	sld [smem:$0x3FAE]  }
0x39: {  	_ = 	snop;
	(pc) =	sbr.ind lr, $3  }
0x3a: {  	_ = 	snop  }
0x3b: {  	_ = 	snop  }
0x3c: {  	p2 =	seq.s32 s10, $0x1;
	s10 =	sld [smem:$0x3FAD]  }
0x3d: {  	_ =	shalt  }
0x3e: {  	_ =	shalt  }
0x3f: {  	_ =	shalt  }
0x40: {  	_ =	shalt  }
0x41: {  	_ =	shalt  }
0x42: {  	_ =	shalt  }
0x43: {  	_ =	shalt  }
0x44: {  	_ =	shalt  }
0x45: {  	_ =	shalt  }
0x46: {  	_ =	shalt  }
0x47: {  	_ =	shalt  }
0x48: {  	_ =	shalt  }
0x49: {  	_ =	shalt  }
0x4a: {  	_ =	shalt  }
0x4b: {  	_ =	shalt  }
0x4c: {  	_ =	shalt  }
0x4d: {  	_ =	shalt  }
0x4e: {  	_ =	shalt  }
0x4f: {  	_ =	shalt  }
0x50: {  	_ =	shalt  }
0x51: {  	_ =	shalt  }
0x52: {  	_ =	shalt  }
0x53: {  	_ =	shalt  }
0x54: {  	_ =	shalt  }
0x55: {  	_ =	shalt  }
0x56: {  	_ =	shalt  }
0x57: {  	_ =	shalt  }
0x58: {  	_ =	shalt  }
0x59: {  	_ =	shalt  }
0x5a: {  	_ =	shalt  }
0x5b: {  	_ =	shalt  }
0x5c: {  	_ =	shalt  }
0x5d: {  	_ =	shalt  }
0x5e: {  	_ =	shalt  }
0x5f: {  	_ =	shalt  }
0x60: {  	_ =	shalt  }
0x61: {  	_ =	shalt  }
0x62: {  	_ =	shalt  }
0x63: {  	_ =	shalt  }
0x64: {  	_ =	shalt  }
0x65: {  	_ =	shalt  }
0x66: {  	_ =	shalt  }
0x67: {  	_ =	shalt  }
0x68: {  	_ =	shalt  }
0x69: {  	_ =	shalt  }
0x6a: {  	_ =	shalt  }
0x6b: {  	_ =	shalt  }
0x6c: {  	_ =	shalt  }
0x6d: {  	_ =	shalt  }
0x6e: {  	_ =	shalt  }
0x6f: {  	_ =	shalt  }
0x70: {  	_ =	shalt  }
0x71: {  	_ =	shalt  }
0x72: {  	_ =	shalt  }
0x73: {  	_ =	shalt  }
0x74: {  	_ =	shalt  }
0x75: {  	_ =	shalt  }
0x76: {  	_ =	shalt  }
0x77: {  	_ =	shalt  }
0x78: {  	_ =	shalt  }
0x79: {  	_ =	shalt  }
0x7a: {  	_ =	shalt  }
0x7b: {  	_ =	shalt  }
0x7c: {  	_ =	shalt  }
0x7d: {  	_ =	shalt  }
0x7e: {  	_ =	shalt  }
0x7f: {  	_ =	shalt  }
0x80: {  	_ =	shalt  }
0x81: {  	_ =	shalt  }
0x82: {  	_ =	shalt  }
0x83: {  	_ =	shalt  }
0x84: {  	_ =	shalt  }
0x85: {  	_ =	shalt  }
0x86: {  	_ =	shalt  }
0x87: {  	_ =	shalt  }
.Lfunc_end0:
.L_simem_size_0:
called_computation.1_lowered:
.L_overlay_start_0:
0x88: {  	s2 =	sld [smem:$0x3FD9]  }
0x89: {  	s3 =	sld [smem:$0x3FFE];
	_ =	sdelay $0x1  }
0x8a: {  	s1 =	srdreg.scid  }
0x8b: {  	s0 =	sand.u32 $0x1, s1  }
0x8c: {  	s14 =	sshll.u32 s0, $0xA;
	s2 =	sadd.s32 s3, s2  }
0x8d: {  	s2 =	sadd.s32 s2, s14  }
0x8e: {  	[smem:$0x3FB9] =	sst s2  }
0x8f: {  	_ = 	snop  }
0x90: {  	s2 =	sld [smem:$0x3FD0];
	_ =	sdelay $0x2  }
0x91: {  	s15 =	simm.s32 $0xA;
	s4 =	simm.s32 $0x10  }
0x92: {  	[smem:s4], [sflag:s15] =	dma.local [hbm:s2], $0x1  }
0x93: {  	_ =	swait.eq [sflag:s15], $0x1  }
0x94: {  	[sflag:s15] =	ssyncset.done $0x0  }
0x95: {  	[sflag:s15] =	ssyncadd.s32 $0xFFFFFFFF  }
0x96: {  	s16 =	sld [smem:$0x10];
	(tm) =	ssettm $0x1  }
0x97: {  	s17 =	sld [smem:$0x3FFB];
	_ =	sdelay $0x3  }
0x98: {  	_ =	strace s17  }
0x99: {  	s3 =	sld [smem:$0x3FFC];
	_ =	sdelay $0x3  }
0x9a: {  	_ =	strace s3  }
0x9b: {  	s3 =	sld [smem:$0x3FFD];
	_ =	sdelay $0x3  }
0x9c: {  	_ =	strace s3  }
0x9d: {  	_ =	strace $0x8FFFFFFF  }
0x9e: {  	s18 =	sld [smem:$0x3FDB];
	_ =	sdelay $0x1  }
0x9f: {  	s19 =	simm.s32 $_scs_section_size  }
0xa0: {  	s5 =	simm.s32 $_size__tile_overlayer_lowered;
	s6 =	simm.s32 $_tile_overlayer_lowered  }
0xa1: {  	s22 =	simm.s32 $0x1BFF;
	s21 =	sshll.u32 s6, $0x1;
	s3 =	sadd.s32 s19, s18  }
0xa2: {  	s7 =	simm.s32 $0x0;
	s20 =	sshll.u32 s5, $0x1;
	s5 =	sadd.s32 s21, s3  }
0xa3: {  	[timem:s7], [sflag:s22] =	dma.local [hbm:s5], s20  }
0xa4: {  	_ =	swait.ge [sflag:s22], s20  }
0xa5: {  	s4 =	ssub.s32 $0x0, s20;
	[sflag:s22] =	ssyncset.done $0x0  }
0xa6: {  	[sflag:s22] =	ssyncadd.s32 s4;
	_ =	sdelay $0x1  }
0xa7: {  	s23 =	simm.s32 $0x1B8B  }
0xa8: {  	_ =	swait.ge [sflag:s23], $0x1  }
0xa9: {  	[sflag:s23] =	ssyncset.done $0x0  }
0xaa: {  	s25 =	simm.s32 $0x1B8E;
	s24 =	sld [smem:$0x3FFE];
	[sflag:s23] =	ssyncadd.s32 $0xFFFFFFFF  }
0xab: {  	s26 =	simm.s32 $execute0_lowered;
	[smem:$0x3FD2] =	sst s25  }
0xac: {  	s5 =	sshll.u32 s26, $0x1;
	_ =	strace $0x80000049;
	[dreg:$0x1] =	wrdreg $0xFFFFFFFF  }
0xad: {  	s28 =	simm.s32 $_size_execute0_lowered;
	s3 =	sadd.s32 s3, s5;
	[dreg:$0x0] =	wrdreg $0x0  }
0xae: {  	s5 =	sshll.u32 s28, $0x1;
	[dreg:$0x2] =	wrdreg s3  }
0xaf: {  	[dreg:$0x3] =	wrdreg s5  }
0xb0: {  	[dreg:$0x4] =	wrdreg $0xC0  }
0xb1: {  	_ =	task [dreg:s7], $0x5FFFF  }
0xb2: {  	[dreg:$0x1] =	wrdreg $0xFFFFFFFF  }
0xb3: {  	[dreg:$0x0] =	wrdreg $0x60  }
0xb4: {  	[dreg:$0x2] =	wrdreg s24  }
0xb5: {  	[dreg:$0x3] =	wrdreg s16  }
0xb6: {  	[dreg:$0x4] =	wrdreg $0x15A000  }
0xb7: {  	[dreg:$0x5] =	wrdreg $0x9  }
0xb8: {  	_ =	task.clear_ibuf [dreg:s7], $0x6FFFF;
	_ =	strace $0x90000049  }
0xb9: {  	s29 =	simm.s32 $0x9;
	_ =	strace $0x8000004B  }
0xba: {  	_ =	swait.ge [sflag:s29], $0x1  }
0xbb: {  	[sflag:s29] =	ssyncadd.s32 $0xFFFFFFFF  }
0xbc: {  	_ =	strace $0x9000004B  }
0xbd: {  	_ =	sfence  }
0xbe: {  	s30 =	sld [smem:$0x0];
	_ =	sdelay $0x2  }
0xbf: {  	s31 =	sshll.u32 s1, $0xD;
	s1 =	sshrl.u32 s1, $0x2  }
0xc0: {  	s3 =	sand.u32 $0x4000, s31;
	s1 =	sadd.s32 s1, s30  }
0xc1: {  	s0 =	sor.u32 s3, s0;
	s1 =	sshll.u32 s1, $0x11  }
0xc2: {  	s0 =	sor.u32 s1, s0  }
0xc3: {  	s0 =	sadd.s32 $0x8F2B, s0  }
0xc4: {  	[sflag:s0] =	ssyncadd.remote.s32 $0x1  }
0xc5: {  	_ =	sfence.sel $0xFFFF  }
0xc6: {  	[dreg:$0x0] =	wrdreg $0xFFFFFFFF;
	(pc) =	sbr.abs _section_cstart, $3  }
0xc7: {  	[dreg:$0x1] =	wrdreg $0xFFFFFFFF  }
0xc8: {  	_ =	task.clear_ibuf [dreg:s7], $0x2FFFF;
	_ =	strace $0x9FFFFFFF  }
0xc9: {  	(tm) =	ssettm $0x7FFFFFFF  }
tec
execute0_lowered:
.L_overlay_start_1:
0x0: {  	(tag) =	ssettag $0x1  }
0x1: {  	s1 =	rddreg [dreg:$0x0];
	s3 =	srdreg.scid  }
0x2: {  	s2 =	rddreg [dreg:$0x2];
	s11 =	stileid.u32  }
0x3: {  	s13 =	simm.s32 $0x9;
	s14 =	simm.s32 $0x5200;
	s15 =	simm.s32 $0x9200  }
0x4: {  	s16 =	simm.s32 $0x80;
	s17 =	simm.s32 $0x5;
	s6 =	smul.u32 $0xA000, s11  }
0x5: {  	s18 =	simm.s32 $0x6;
	s19 =	simm.s32 $0x7;
	s7 =	smul.u32 $0x50000, s11  }
0x6: {  	s22 =	simm.s32 $0x0;
	s5 =	sand.u32 $0x1, s3;
	s8 =	smul.u32 $0xA00, s11  }
0x7: {  	s3 =	simm.s32 $0x0;
	p0 =	seq.s32 s11, $0xF;
	s12 =	smul.u32 $0x28000, s11  }
0x8: {  	s21 =	sor.u32 $0x1400, s11;
	s4 =	smul.u32 $0xA0000, s5;
	[smem:$0x7FF] =	sst s3  }
0x9: {  	s26 =	ssub.s32 $0x2, s5;
	s20 =	smul.u32 $0x1400, s5;
	v1 =	vmov s21;
	s21 =	simm.s32 $0x15200  }
0xa: {  	_ =	strace $0x8000004A;
	s9 =	sadd.s32 s7, s1;
	s28 =	sadd.s32 s8, s1  }
0xb: {  	s29 =	sshrl.u32 s26, $0x1;
	s31 =	sshrl.u32 s12, $0x2;
	s4 =	sadd.s32 s6, s4  }
0xc: {  	s30 =	ssub.s32 s26, s29;
	s5 =	sadd.s32 $0x2E00, s28;
	s6 =	sadd.s32 $0xEEEE00, s9  }
0xd: {  	s7 =	sadd.s32 $0xEEF600, s9;
	s9 =	sadd.s32 $0xEEFE00, s9;
	s4 =	sshrl.u32 s4, $0x3  }
0xe: {  	v0 =	vmov s20;
	s20 =	simm.s32 $0x8;
	s1 =	sadd.s32 s4, s1;
	s4 =	simm.s32 $0x64  }
0xf: {  	s8 =	smax.u32 s30, $0x1;
	s4 =	simm.s32 @!p0 $0xA0;
	p0 =	sne.s32 s11, $0x0  }
0x10: {  	s10 =	sadd.s32 $0xCE00, s1;
	s11 =	sadd.s32 s31, s2;
	s12 =	sshrl.u32 @!p0 s2, $0x3  }
.LBB2_1:
0x11: {  	s1 =	simm.s32 @!p0 $0x1C09;
	s0 =	rddreg [dreg:$0x1]  }
0x12: {  	[spmem:s12], [sflag:s1] =	dma.local @!p0 [hbm:s0], $0x14100  }
0x13: {  	s1 =	simm.s32 @!p0 $0x9  }
0x14: {  	_ =	swait.ge @!p0 [sflag:s1], $0x14100  }
0x15: {  	[sflag:s1] =	ssyncset.done @!p0 $0x0  }
0x16: {  	[sflag:s1] =	ssyncadd.s32 @!p0 $0xFFFEBF00  }
0x17: {  	[tilespmem:s3], [sflag:$0x9] =	stream.linear.gather [hbm4b:s5+s3], $0x5000, $0x38;
	[tilespmem:$0x1FA80] =	vst v63  }
0x18: {  	s23 =	simm.s32 $0x40;
	_ =	swait.ge [sflag:s13], $0x5000  }
0x19: {  	s24 =	simm.s32 $0x1;
	p2 =	sne.s32 s4, $0x1;
	[sflag:s13] =	ssyncset.done $0x0  }
.Ltmp0:
0x1a: {  	p3 =	sle.u32 s4, $0x2;
	[sflag:s13] =	ssyncadd.s32 $0xFFFFB000;
	(pc) =	sbr.rel @!p2 .LBB2_2-.Ltmp0, $4  }
0x1b: {  	s31 =	simm.s32 $0x2;
	p1 =	por @!p3 $0x1, $0x1;
	[bflag:$0x0] =	sbarrier.arrive $0xFFFF  }
0x1c: {  	[tilespmem:s14], [sflag:$0x1] =	stream.linear.gather [hbm4b:s6+s3], $0x4000, $0x38;
	[tilespmem:$0x1FA80] =	vst v63  }
0x1d: {  	s28 =	sand.u32 $0x3, s31;
	p4 =	por p1, p3;
	p1 =	por $0x0, $0x0  }
0x1e: {  	[tilespmem:s15], [sflag:$0x2] =	stream.linear.gather [hbm4b:s7+s3], $0x4000, $0x38;
	[tilespmem:$0x1FA80] =	vst v63  }
0x1f: {  	s1 =	sadd.s32 @!p4 $0x5, s28  }
0x20: {  	_ =	swait.ge @!p4 [sflag:s1], $0x4000  }
0x21: {  	s25 =	sshll.u32 @!p3 s28, $0xE;
	s26 =	simm.s32 @!p3 $0x0;
	[sflag:s1] =	ssyncset.done @!p4 $0x0  }
0x22: {  	[sflag:s1] =	ssyncadd.s32 @!p4 $0xFFFFC000;
	s1 =	sadd.s32 @!p3 $0x5200, s25;
	s25 =	sadd.s32 @!p3 $0x1, s28  }
0x23: {  	[tilespmem:s1], [sflag:s25] =	stream.linear.gather @!p3 [hbm4b:s9+s26], $0x4000, $0x38;
	[tilespmem:$0x1FA80] =	vst v63  }
0x24: {  	v2 =	vld [tilespmem:s23+$0xFFFFFFC0];
	_ =	sdelay $0x4  }
0x25: {  	v2 =	vsub.s32 v2, v0  }
0x26: {  	s1 =	sand.u32 $0x3, s3;
	vm0 =	vlt.u32 v2, $0x1400  }
0x27: {  	s28 =	sshll.u32 s1, $0x7;
	v2 =	vsel vm0, v2, v1  }
0x28: {  	[tilespmem:s28+$0x5000] =	vst v2  }
0x29: {  	v2 =	vld [tilespmem:s23+$0xFFFFFFD0];
	_ =	sdelay $0x4  }
0x2a: {  	v2 =	vsub.s32 v2, v0  }
0x2b: {  	vm9 =	vlt.u32 v2, $0x1400  }
0x2c: {  	v2 =	vsel vm9, v2, v1  }
0x2d: {  	[tilespmem:s28+$0x5010] =	vst v2  }
0x2e: {  	v2 =	vld [tilespmem:s23+$0xFFFFFFE0];
	_ =	sdelay $0x4  }
0x2f: {  	v2 =	vsub.s32 v2, v0  }
0x30: {  	vm10 =	vlt.u32 v2, $0x1400  }
0x31: {  	v2 =	vsel vm10, v2, v1  }
0x32: {  	[tilespmem:s28+$0x5020] =	vst v2  }
0x33: {  	v2 =	vld [tilespmem:s23+$0xFFFFFFF0];
	_ =	sdelay $0x4  }
0x34: {  	v2 =	vsub.s32 v2, v0  }
0x35: {  	vm11 =	vlt.u32 v2, $0x1400  }
0x36: {  	v2 =	vsel vm11, v2, v1  }
0x37: {  	[tilespmem:s28+$0x5030] =	vst v2  }
0x38: {  	v2 =	vld [tilespmem:s23+$0x0];
	_ =	sdelay $0x4  }
0x39: {  	v2 =	vsub.s32 v2, v0  }
0x3a: {  	vm12 =	vlt.u32 v2, $0x1400  }
0x3b: {  	v2 =	vsel vm12, v2, v1  }
0x3c: {  	[tilespmem:s28+$0x5040] =	vst v2  }
0x3d: {  	v2 =	vld [tilespmem:s23+$0x10];
	_ =	sdelay $0x4  }
0x3e: {  	v2 =	vsub.s32 v2, v0  }
0x3f: {  	vm13 =	vlt.u32 v2, $0x1400  }
0x40: {  	v2 =	vsel vm13, v2, v1  }
0x41: {  	[tilespmem:s28+$0x5050] =	vst v2  }
0x42: {  	v2 =	vld [tilespmem:s23+$0x20];
	_ =	sdelay $0x4  }
0x43: {  	v2 =	vsub.s32 v2, v0  }
0x44: {  	vm14 =	vlt.u32 v2, $0x1400  }
0x45: {  	v2 =	vsel vm14, v2, v1  }
0x46: {  	[tilespmem:s28+$0x5060] =	vst v2  }
0x47: {  	v2 =	vld [tilespmem:s23+$0x30];
	_ =	sdelay $0x4  }
0x48: {  	p2 =	sne.s32 s4, $0x2;
	s0 =	simm.s32 $0x3;
	s26 =	simm.s32 $0x2;
	v2 =	vsub.s32 v2, v0  }
.Ltmp1:
0x49: {  	s25 =	sadd.s32 $0x800, s9;
	p3 =	sle.u32 s4, $0x3;
	vm15 =	vlt.u32 v2, $0x1400;
	(pc) =	sbr.rel @!p2 .LBB2_5-.Ltmp1, $4  }
0x4a: {  	s29 =	sshll.u32 s1, $0xE;
	s31 =	sadd.s32 $0x5, s1;
	s1 =	sadd.s32 $0x1, s1;
	v2 =	vsel vm15, v2, v1  }
0x4b: {  	p1 =	por @!p3 $0x1, $0x1;
	s30 =	sadd.s32 $0x5200, s29;
	s29 =	sor.u32 $0x5000, s28;
	[tilespmem:s28+$0x5070] =	vst v2  }
0x4c: {  	p4 =	por p1, p3;
	p1 =	por $0x1, $0x1;
	_ =	swait.ge [sflag:s1], $0x4000  }
0x4d: {  	s23 =	simm.s32 $0xC0;
	s28 =	sand.u32 $0x3, s0;
	[sflag:s1] =	ssyncset.done $0x0  }
.LBB2_4:
0x4e: {  	s0 =	sadd.s32 @!p4 $0x5, s28  }
0x4f: {  	[sflag:s1] =	ssyncadd.s32 $0xFFFFC000;
	s1 =	smov.u32 s26;
	s26 =	sadd.s32 $0x1, s26  }
0x50: {  	[spmem:s2] =	stream.indirect.scatter.add.f32 [tilespmem:s30], [sflag:s31], $0x80, s29, s16, $0xb8;
	[tilespmem:$0x1FA80] =	vst v63  }
0x51: {  	p2 =	sne.s32 s4, s26;
	_ =	swait.ge @!p4 [sflag:s0], $0x4000  }
0x52: {  	s29 =	sshll.u32 @!p3 s28, $0xE;
	s30 =	simm.s32 @!p3 $0x0;
	[sflag:s0] =	ssyncset.done @!p4 $0x0  }
0x53: {  	s28 =	sadd.s32 @!p3 $0x1, s28;
	[sflag:s0] =	ssyncadd.s32 @!p4 $0xFFFFC000;
	s0 =	sadd.s32 @!p3 $0x5200, s29  }
0x54: {  	[tilespmem:s0], [sflag:s28] =	stream.linear.gather @!p3 [hbm4b:s25+s30], $0x4000, $0x38;
	[tilespmem:$0x1FA80] =	vst v63  }
0x55: {  	v2 =	vld [tilespmem:s23+$0xFFFFFFC0];
	_ =	sdelay $0x4  }
0x56: {  	v2 =	vsub.s32 v2, v0  }
0x57: {  	s28 =	sand.u32 $0x3, s24;
	s24 =	smov.u32 s1;
	vm0 =	vlt.u32 v2, $0x1400  }
0x58: {  	s29 =	sshll.u32 s28, $0x7;
	s30 =	sshll.u32 s28, $0xE;
	v2 =	vsel vm0, v2, v1  }
0x59: {  	[tilespmem:s29+$0x5000] =	vst v2  }
0x5a: {  	v2 =	vld [tilespmem:s23+$0xFFFFFFD0];
	_ =	sdelay $0x4  }
0x5b: {  	v2 =	vsub.s32 v2, v0  }
0x5c: {  	vm0 =	vlt.u32 v2, $0x1400  }
0x5d: {  	v2 =	vsel vm0, v2, v1  }
0x5e: {  	[tilespmem:s29+$0x5010] =	vst v2  }
0x5f: {  	v2 =	vld [tilespmem:s23+$0xFFFFFFE0];
	_ =	sdelay $0x4  }
0x60: {  	v2 =	vsub.s32 v2, v0  }
0x61: {  	vm0 =	vlt.u32 v2, $0x1400  }
0x62: {  	v2 =	vsel vm0, v2, v1  }
0x63: {  	[tilespmem:s29+$0x5020] =	vst v2  }
0x64: {  	v2 =	vld [tilespmem:s23+$0xFFFFFFF0];
	_ =	sdelay $0x4  }
0x65: {  	v2 =	vsub.s32 v2, v0  }
0x66: {  	vm0 =	vlt.u32 v2, $0x1400  }
0x67: {  	v2 =	vsel vm0, v2, v1  }
0x68: {  	[tilespmem:s29+$0x5030] =	vst v2  }
0x69: {  	v2 =	vld [tilespmem:s23+$0x0];
	_ =	sdelay $0x4  }
0x6a: {  	v2 =	vsub.s32 v2, v0  }
0x6b: {  	vm0 =	vlt.u32 v2, $0x1400  }
0x6c: {  	v2 =	vsel vm0, v2, v1  }
0x6d: {  	[tilespmem:s29+$0x5040] =	vst v2  }
0x6e: {  	v2 =	vld [tilespmem:s23+$0x10];
	_ =	sdelay $0x4  }
0x6f: {  	v2 =	vsub.s32 v2, v0  }
0x70: {  	vm0 =	vlt.u32 v2, $0x1400  }
0x71: {  	v2 =	vsel vm0, v2, v1  }
0x72: {  	[tilespmem:s29+$0x5050] =	vst v2  }
0x73: {  	v2 =	vld [tilespmem:s23+$0x20];
	_ =	sdelay $0x4  }
0x74: {  	v2 =	vsub.s32 v2, v0  }
0x75: {  	vm0 =	vlt.u32 v2, $0x1400  }
0x76: {  	v2 =	vsel vm0, v2, v1  }
0x77: {  	[tilespmem:s29+$0x5060] =	vst v2  }
0x78: {  	v2 =	vld [tilespmem:s23+$0x30];
	_ =	sdelay $0x4  }
0x79: {  	v2 =	vsub.s32 v2, v0  }
.Ltmp2:
0x7a: {  	s23 =	sadd.s32 $0x80, s23;
	vm0 =	vlt.u32 v2, $0x1400;
	(pc) =	sbr.rel @p2 .LBB2_4-.Ltmp2, $4  }
0x7b: {  	s25 =	sadd.s32 $0x800, s25;
	s0 =	sadd.s32 $0x2, s24;
	s31 =	sadd.s32 $0x5, s28;
	v2 =	vsel vm0, v2, v1  }
0x7c: {  	s1 =	sadd.s32 $0x1, s28;
	p3 =	sge.u32 s0, s4;
	s30 =	sadd.s32 $0x5200, s30;
	[tilespmem:s29+$0x5070] =	vst v2  }
0x7d: {  	p4 =	slt.u32 @!p3 s24, $0x2;
	s29 =	sor.u32 $0x5000, s29;
	_ =	swait.ge [sflag:s1], $0x4000  }
0x7e: {  	s28 =	sand.u32 $0x3, s0;
	p4 =	por p4, p3;
	[sflag:s1] =	ssyncset.done $0x0  }
.LBB2_5:
0x7f: {  	s0 =	sadd.s32 @!p4 $0x5, s28;
	[sflag:s1] =	ssyncadd.s32 @p1 $0xFFFFC000  }
0x80: {  	[spmem:s2] =	stream.indirect.scatter.add.f32 @p1 [tilespmem:s30], [sflag:s31], $0x80, s29, s16, $0xb8;
	[tilespmem:$0x1FA80] =	vst v63  }
0x81: {  	_ =	swait.ge @!p4 [sflag:s0], $0x4000  }
0x82: {  	s1 =	sshll.u32 @!p3 s28, $0xE;
	s26 =	simm.s32 @!p3 $0x0;
	[sflag:s0] =	ssyncset.done @!p4 $0x0  }
0x83: {  	[sflag:s0] =	ssyncadd.s32 @!p4 $0xFFFFC000;
	s0 =	sadd.s32 @!p3 $0x5200, s1;
	s1 =	sadd.s32 @!p3 $0x1, s28  }
0x84: {  	[tilespmem:s0], [sflag:s1] =	stream.linear.gather @!p3 [hbm4b:s25+s26], $0x4000, $0x38;
	[tilespmem:$0x1FA80] =	vst v63  }
0x85: {  	v2 =	vld [tilespmem:s23+$0xFFFFFFC0];
	_ =	sdelay $0x4  }
0x86: {  	v2 =	vsub.s32 v2, v0  }
0x87: {  	s28 =	sand.u32 $0x3, s24;
	vm0 =	vlt.u32 v2, $0x1400  }
0x88: {  	s29 =	sshll.u32 s28, $0x7;
	v2 =	vsel vm0, v2, v1  }
0x89: {  	[tilespmem:s29+$0x5000] =	vst v2  }
0x8a: {  	v2 =	vld [tilespmem:s23+$0xFFFFFFD0];
	_ =	sdelay $0x4  }
0x8b: {  	v2 =	vsub.s32 v2, v0  }
0x8c: {  	vm9 =	vlt.u32 v2, $0x1400  }
0x8d: {  	v2 =	vsel vm9, v2, v1  }
0x8e: {  	[tilespmem:s29+$0x5010] =	vst v2  }
0x8f: {  	v2 =	vld [tilespmem:s23+$0xFFFFFFE0];
	_ =	sdelay $0x4  }
0x90: {  	v2 =	vsub.s32 v2, v0  }
0x91: {  	vm10 =	vlt.u32 v2, $0x1400  }
0x92: {  	v2 =	vsel vm10, v2, v1  }
0x93: {  	[tilespmem:s29+$0x5020] =	vst v2  }
0x94: {  	v2 =	vld [tilespmem:s23+$0xFFFFFFF0];
	_ =	sdelay $0x4  }
0x95: {  	v2 =	vsub.s32 v2, v0  }
0x96: {  	vm11 =	vlt.u32 v2, $0x1400  }
0x97: {  	v2 =	vsel vm11, v2, v1  }
0x98: {  	[tilespmem:s29+$0x5030] =	vst v2  }
0x99: {  	v2 =	vld [tilespmem:s23+$0x0];
	_ =	sdelay $0x4  }
0x9a: {  	v2 =	vsub.s32 v2, v0  }
0x9b: {  	vm12 =	vlt.u32 v2, $0x1400  }
0x9c: {  	v2 =	vsel vm12, v2, v1  }
0x9d: {  	[tilespmem:s29+$0x5040] =	vst v2  }
0x9e: {  	v2 =	vld [tilespmem:s23+$0x10];
	_ =	sdelay $0x4  }
0x9f: {  	v2 =	vsub.s32 v2, v0  }
0xa0: {  	vm13 =	vlt.u32 v2, $0x1400  }
0xa1: {  	v2 =	vsel vm13, v2, v1  }
0xa2: {  	[tilespmem:s29+$0x5050] =	vst v2  }
0xa3: {  	v2 =	vld [tilespmem:s23+$0x20];
	_ =	sdelay $0x4  }
0xa4: {  	v2 =	vsub.s32 v2, v0  }
0xa5: {  	vm14 =	vlt.u32 v2, $0x1400  }
0xa6: {  	v2 =	vsel vm14, v2, v1  }
0xa7: {  	[tilespmem:s29+$0x5060] =	vst v2  }
0xa8: {  	v2 =	vld [tilespmem:s23+$0x30];
	_ =	sdelay $0x4  }
0xa9: {  	v2 =	vsub.s32 v2, v0  }
0xaa: {  	vm15 =	vlt.u32 v2, $0x1400  }
0xab: {  	v2 =	vsel vm15, v2, v1  }
0xac: {  	s30 =	sadd.s32 $0x1, s28;
	[tilespmem:s29+$0x5070] =	vst v2  }
0xad: {  	_ =	swait.ge [sflag:s30], $0x4000  }
0xae: {  	s24 =	sshll.u32 s28, $0xE;
	s0 =	sadd.s32 $0x5, s28;
	[sflag:s30] =	ssyncset.done $0x0  }
0xaf: {  	s24 =	sadd.s32 $0x5200, s24;
	s1 =	sor.u32 $0x5000, s29;
	[sflag:s30] =	ssyncadd.s32 $0xFFFFC000  }
0xb0: {  	[spmem:s2] =	stream.indirect.scatter.add.f32 [tilespmem:s24], [sflag:s0], $0x80, s1, s16, $0xb8;
	[tilespmem:$0x1FA80] =	vst v63  }
0xb1: {  	_ =	swait.ge [sflag:s17], $0x4000  }
0xb2: {  	[sflag:s17] =	ssyncset.done $0x0  }
0xb3: {  	[sflag:s17] =	ssyncadd.s32 $0xFFFFC000  }
0xb4: {  	_ =	swait.ge [sflag:s18], $0x4000  }
0xb5: {  	[sflag:s18] =	ssyncset.done $0x0  }
0xb6: {  	[sflag:s18] =	ssyncadd.s32 $0xFFFFC000  }
0xb7: {  	_ =	swait.ge [sflag:s19], $0x4000  }
0xb8: {  	[sflag:s19] =	ssyncset.done $0x0  }
0xb9: {  	[sflag:s19] =	ssyncadd.s32 $0xFFFFC000  }
0xba: {  	_ =	swait.ge [sflag:s20], $0x4000  }
0xbb: {  	[sflag:s20] =	ssyncset.done $0x0  }
0xbc: {  	[sflag:s20] =	ssyncadd.s32 $0xFFFFC000  }
0xbd: {  	[bflag:$0x0] =	sbarrier.arrive $0xFFFF  }
0xbe: {  	[tilespmem:s21], [sflag:$0x9] =	stream.linear.gather [spmem:s11], $0x800, $0x38;
	[tilespmem:$0x1FA80] =	vst v63  }
0xbf: {  	_ =	swait.ge [sflag:s13], $0x800  }
0xc0: {  	[sflag:s13] =	ssyncset.done $0x0  }
0xc1: {  	s31 =	sadd.s32 $0x0, s10;
	[sflag:s13] =	ssyncadd.s32 $0xFFFFF800  }
0xc2: {  	[hbm4b:s31+s3] =	stream.linear.scatter [tilespmem:s21], [sflag:$0x9], $0x800, $0x38;
	[tilespmem:$0x1FA80] =	vst v63  }
0xc3: {  	_ =	swait.ge [sflag:s13], $0x800  }
0xc4: {  	s23 =	smov.u32 s11;
	s1 =	simm.s32 $0x100;
	[sflag:s13] =	ssyncset.done $0x0  }
.LBB2_6:
0xc5: {  	p1 =	sne.s32 s1, $0x1300;
	[sflag:s13] =	ssyncadd.s32 $0xFFFFF800;
	s23 =	sadd.s32 $0x800, s23  }
0xc6: {  	[tilespmem:s21], [sflag:$0x9] =	stream.linear.gather [spmem:s23], $0x800, $0x38;
	[tilespmem:$0x1FA80] =	vst v63  }
0xc7: {  	s0 =	smov.u32 s1;
	s1 =	sadd.s32 $0x100, s1;
	_ =	swait.ge [sflag:s13], $0x800  }
.Ltmp3:
0xc8: {  	[sflag:s13] =	ssyncset.done $0x0;
	(pc) =	sbr.rel @p1 .LBB2_6-.Ltmp3, $4  }
0xc9: {  	s0 =	sadd.s32 s0, s10;
	[sflag:s13] =	ssyncadd.s32 $0xFFFFF800  }
0xca: {  	[hbm4b:s0+s3] =	stream.linear.scatter [tilespmem:s21], [sflag:$0x9], $0x800, $0x38;
	[tilespmem:$0x1FA80] =	vst v63  }
0xcb: {  	_ =	swait.ge [sflag:s13], $0x800  }
0xcc: {  	[sflag:s13] =	ssyncset.done $0x0  }
0xcd: {  	s22 =	sadd.s32 $0x1, s22  }
0xce: {  	p1 =	sne.s32 s22, s8  }
.Ltmp4:
0xcf: {  	_ = 	snop;
	(pc) =	sbr.rel @p1 .LBB2_1-.Ltmp4, $4  }
.Ltmp5:
0xd0: {  	_ = 	snop;
	(pc) =	sbr.rel @!p1 .LBB2_8-.Ltmp5, $4  }
0xd1: {  	_ = 	snop  }
0xd2: {  	_ = 	snop  }
0xd3: {  	[sflag:s13] =	ssyncadd.s32 $0xFFFFF800  }
0xd4: {  	_ = 	snop  }
.LBB2_2:
.Ltmp6:
0xd5: {  	(pc) =	sbr.rel .LBB2_5-.Ltmp6, $2  }
0xd6: {  	_ =	sdelay $0x2  }
0xd7: {  	s25 =	smov.u32 s9;
	s24 =	simm.s32 $0x0  }
.LBB2_8:
0xd8: {  	_ =	sfence.sel $0x180000  }
0xd9: {  	[bflag:$0x0] =	sbarrier.arrive $0xFFFF  }
0xda: {  	_ =	strace $0x9000004A  }
0xdb: {  	[bflag:$0x2] =	sbarrier.arrive $0xFFFF  }
0xdc: {  	s0 =	rddreg [dreg:$0x3]  }
0xdd: {  	s0 =	sadd.s32 @!p0 $0x100000, s0  }
0xde: {  	[sflag:s0] =	ssyncadd.tile.s32 @!p0 $0x1;
	_ =	shalt  }
.Lfunc_end2:
_tile_overlayer_lowered:
.L_overlay_start_2:
0xdf: {  	(tag) =	ssettag $0x2  }
0xe0: {  	s0 =	rddreg [dreg:$0x0];
	s2 =	stileid.u32  }
0xe1: {  	s1 =	rddreg [dreg:$0x1];
	p0 =	sne.s32 s2, $0x0  }
0xe2: {  	s3 =	rddreg [dreg:$0x2];
	[bflag:$0x3] =	sbarrier.arrive $0xFFFF;
	s2 =	simm.s32 @!p0 $0x1C09  }
0xe3: {  	[timem:s3], [sflag:s2] =	dma.local @!p0 [hbm:s0], s1  }
0xe4: {  	s0 =	simm.s32 @!p0 $0x9  }
0xe5: {  	_ =	swait.ge @!p0 [sflag:s0], s1  }
0xe6: {  	s1 =	ssub.s32 @!p0 $0x0, s1;
	[sflag:s0] =	ssyncset.done @!p0 $0x0  }
0xe7: {  	[sflag:s0] =	ssyncadd.s32 @!p0 s1  }
0xe8: {  	[bflag:$0x3] =	sbarrier.arrive $0xFFFF  }
0xe9: {  	_ =	shalt  }

// kernel: kernel.7.cloned.1.call-start
scs
__scs_entry_jumppad:
0x0: {  	(pc) =	sbr.rel $0x88, $3  }
0x1: {  	(tag) =	ssettag $0x0;
	lr =	simm.s32 $0x1  }
0x2: {  	[smem:$0x3F92] =	sst lr;
	_ =	strace $0xD0000000  }
0x3: {  	_ = 	snop  }
0x4: {  	_ = 	snop  }
0x5: {  	_ = 	snop  }
0x6: {  	_ = 	snop  }
0x7: {  	_ = 	snop  }
__scs_overlays_trampoline_lowered:
0x8: {  	[smem:$0x3FA1] =	sst s0  }
0x9: {  	[smem:$0x3FA2] =	sst s1  }
0xa: {  	[smem:$0x3FA3] =	sst s2  }
0xb: {  	[smem:$0x3FA4] =	sst s3  }
0xc: {  	[smem:$0x3FA5] =	sst s4  }
0xd: {  	[smem:$0x3FA6] =	sst s5  }
0xe: {  	[smem:$0x3FA7] =	sst s6  }
0xf: {  	[smem:$0x3FA8] =	sst s7  }
0x10: {  	[smem:$0x3FA9] =	sst s8  }
0x11: {  	[smem:$0x3FAA] =	sst s9;
	s0 =	simm.s32 @!p0 $0x0  }
0x12: {  	s1 =	sld [smem:$0x3F90];
	s0 =	simm.s32 @p0 $0x1  }
0x13: {  	[smem:$0x3FAB] =	sst s0;
	s0 =	simm.s32 @!p1 $0x0  }
0x14: {  	s2 =	sld [smem:$0x3F8F];
	s0 =	simm.s32 @p1 $0x1  }
0x15: {  	[smem:$0x3FAC] =	sst s0;
	s0 =	simm.s32 @!p2 $0x0  }
0x16: {  	s3 =	sld [smem:$0x3FDB];
	s0 =	simm.s32 @p2 $0x1  }
0x17: {  	s4 =	simm.s32 $0x1BF5;
	[smem:$0x3FAE] =	sst s0  }
0x18: {  	s0 =	sld [smem:$0x3F91];
	_ =	swait.ge [sflag:s4], $0x0  }
0x19: {  	s7 =	sld [smem:$0x3F92]  }
0x1a: {  	s8 =	sadd.s32 $0xFFFFE003, lr  }
0x1b: {  	s9 =	sadd.s32 $0xFFFFFEF7, lr;
	s5 =	simm.s32 $0xFFFFFFFF;
	p2 =	slt.u32 s8, $0xFFFFF086  }
0x1c: {  	p1 =	slt.u32 s9, $0xF7A;
	s5 =	simm.s32 @!p2 $0x0  }
0x1d: {  	s5 =	simm.s32 @p1 $0x1;
	p0 =	seq.s32 s7, s2  }
0x1e: {  	s7 =	smul.u32 @!p0 $0xF7A, s2;
	p2 =	seq.s32 @!p0 s5, $0x0  }
0x1f: {  	s9 =	smul.u32 $0xF7A, s1;
	s8 =	simm.s32 @!p0 $0x1BF5;
	p2 =	por !p2, p0  }
0x20: {  	[sflag:s8] =	ssyncset.s32 @!p0 $0xFFFFF086;
	s6 =	sadd.s32 @!p0 s3, s7;
	s7 =	simm.s32 @!p0 $0x108  }
0x21: {  	s3 =	sadd.s32 s3, s9;
	s6 =	sadd.s32 @!p0 $0x88, s6;
	s7 =	simm.s32 @p2 $0x1082  }
0x22: {  	[simem:s7], [sflag:s8] =	dma.local @!p0 [hbm:s6], $0xF7A  }
0x23: {  	s9 =	sor.u32 $0xD0000000, s2;
	s6 =	simm.s32 $0x108;
	_ =	swait.ge @!p0 [sflag:s8], $0x0  }
0x24: {  	s3 =	sadd.s32 $0x88, s3;
	s6 =	simm.s32 @!p1 $0x1082;
	[sflag:s4] =	ssyncset.s32 $0xFFFFF086  }
0x25: {  	[simem:s6], [sflag:s4] =	dma.local [hbm:s3], $0xF7A  }
0x26: {  	[smem:$0x3F92] =	sst s1;
	(tag) =	ssettag s2;
	_ =	strace s9  }
0x27: {  	s1 =	sld [smem:$0x3FA2]  }
0x28: {  	s2 =	sld [smem:$0x3FA3]  }
0x29: {  	s4 =	sld [smem:$0x3FA5]  }
0x2a: {  	p0 =	seq.s32 s5, $0x0;
	s5 =	sld [smem:$0x3FA6]  }
0x2b: {  	s6 =	sld [smem:$0x3FA7]  }
0x2c: {  	s7 =	sld [smem:$0x3FA8]  }
0x2d: {  	s3 =	simm.s32 $0x108;
	s8 =	sld [smem:$0x3FA9]  }
0x2e: {  	s3 =	simm.s32 @!p0 $0x1082;
	s9 =	sld [smem:$0x3FAA]  }
0x2f: {  	lr =	sadd.s32 s0, s3;
	s0 =	sld [smem:$0x3FA1]  }
0x30: {  	s3 =	sld [smem:$0x3FA4]  }
0x31: {  	[smem:$0x3FAD] =	sst s10  }
0x32: {  	s10 =	sld [smem:$0x3FAB];
	_ =	sdelay $0x3  }
0x33: {  	p0 =	seq.s32 s10, $0x1;
	s10 =	sld [smem:$0x3FAD];
	_ =	sdelay $0x3  }
0x34: {  	[smem:$0x3FAD] =	sst s10  }
0x35: {  	s10 =	sld [smem:$0x3FAC];
	_ =	sdelay $0x3  }
0x36: {  	p1 =	seq.s32 s10, $0x1;
	s10 =	sld [smem:$0x3FAD];
	_ =	sdelay $0x3  }
0x37: {  	[smem:$0x3FAD] =	sst s10  }
0x38: {  	s10 =	sld [smem:$0x3FAE]  }
0x39: {  	_ = 	snop;
	(pc) =	sbr.ind lr, $3  }
0x3a: {  	_ = 	snop  }
0x3b: {  	_ = 	snop  }
0x3c: {  	p2 =	seq.s32 s10, $0x1;
	s10 =	sld [smem:$0x3FAD]  }
0x3d: {  	_ =	shalt  }
0x3e: {  	_ =	shalt  }
0x3f: {  	_ =	shalt  }
0x40: {  	_ =	shalt  }
0x41: {  	_ =	shalt  }
0x42: {  	_ =	shalt  }
0x43: {  	_ =	shalt  }
0x44: {  	_ =	shalt  }
0x45: {  	_ =	shalt  }
0x46: {  	_ =	shalt  }
0x47: {  	_ =	shalt  }
0x48: {  	_ =	shalt  }
0x49: {  	_ =	shalt  }
0x4a: {  	_ =	shalt  }
0x4b: {  	_ =	shalt  }
0x4c: {  	_ =	shalt  }
0x4d: {  	_ =	shalt  }
0x4e: {  	_ =	shalt  }
0x4f: {  	_ =	shalt  }
0x50: {  	_ =	shalt  }
0x51: {  	_ =	shalt  }
0x52: {  	_ =	shalt  }
0x53: {  	_ =	shalt  }
0x54: {  	_ =	shalt  }
0x55: {  	_ =	shalt  }
0x56: {  	_ =	shalt  }
0x57: {  	_ =	shalt  }
0x58: {  	_ =	shalt  }
0x59: {  	_ =	shalt  }
0x5a: {  	_ =	shalt  }
0x5b: {  	_ =	shalt  }
0x5c: {  	_ =	shalt  }
0x5d: {  	_ =	shalt  }
0x5e: {  	_ =	shalt  }
0x5f: {  	_ =	shalt  }
0x60: {  	_ =	shalt  }
0x61: {  	_ =	shalt  }
0x62: {  	_ =	shalt  }
0x63: {  	_ =	shalt  }
0x64: {  	_ =	shalt  }
0x65: {  	_ =	shalt  }
0x66: {  	_ =	shalt  }
0x67: {  	_ =	shalt  }
0x68: {  	_ =	shalt  }
0x69: {  	_ =	shalt  }
0x6a: {  	_ =	shalt  }
0x6b: {  	_ =	shalt  }
0x6c: {  	_ =	shalt  }
0x6d: {  	_ =	shalt  }
0x6e: {  	_ =	shalt  }
0x6f: {  	_ =	shalt  }
0x70: {  	_ =	shalt  }
0x71: {  	_ =	shalt  }
0x72: {  	_ =	shalt  }
0x73: {  	_ =	shalt  }
0x74: {  	_ =	shalt  }
0x75: {  	_ =	shalt  }
0x76: {  	_ =	shalt  }
0x77: {  	_ =	shalt  }
0x78: {  	_ =	shalt  }
0x79: {  	_ =	shalt  }
0x7a: {  	_ =	shalt  }
0x7b: {  	_ =	shalt  }
0x7c: {  	_ =	shalt  }
0x7d: {  	_ =	shalt  }
0x7e: {  	_ =	shalt  }
0x7f: {  	_ =	shalt  }
0x80: {  	_ =	shalt  }
0x81: {  	_ =	shalt  }
0x82: {  	_ =	shalt  }
0x83: {  	_ =	shalt  }
0x84: {  	_ =	shalt  }
0x85: {  	_ =	shalt  }
0x86: {  	_ =	shalt  }
0x87: {  	_ =	shalt  }
.Lfunc_end0:
.L_simem_size_0:
called_computation_lowered:
.L_overlay_start_0:
0x88: {  	s2 =	sld [smem:$0x3FD9]  }
0x89: {  	s3 =	sld [smem:$0x3FFE];
	_ =	sdelay $0x1  }
0x8a: {  	s1 =	srdreg.scid  }
0x8b: {  	s0 =	sand.u32 $0x1, s1  }
0x8c: {  	s14 =	sshll.u32 s0, $0xA;
	s2 =	sadd.s32 s3, s2  }
0x8d: {  	s2 =	sadd.s32 s2, s14  }
0x8e: {  	[smem:$0x3FB9] =	sst s2  }
0x8f: {  	_ = 	snop  }
0x90: {  	s2 =	sld [smem:$0x3FD0];
	_ =	sdelay $0x2  }
0x91: {  	s4 =	simm.s32 $0xA;
	s5 =	simm.s32 $0x10;
	s15 =	sld [smem:$0x3FC9]  }
0x92: {  	[smem:s5], [sflag:s4] =	dma.local [hbm:s2], $0x1  }
0x93: {  	_ =	swait.eq [sflag:s4], $0x1  }
0x94: {  	[sflag:s4] =	ssyncset.done $0x0  }
0x95: {  	[sflag:s4] =	ssyncadd.s32 $0xFFFFFFFF  }
0x96: {  	s16 =	sld [smem:$0x10];
	(tm) =	ssettm $0x1  }
0x97: {  	s17 =	sld [smem:$0x3FFB];
	_ =	sdelay $0x3  }
0x98: {  	_ =	strace s17  }
0x99: {  	s4 =	sld [smem:$0x3FFC];
	_ =	sdelay $0x3  }
0x9a: {  	_ =	strace s4  }
0x9b: {  	s4 =	sld [smem:$0x3FFD];
	_ =	sdelay $0x3  }
0x9c: {  	_ =	strace s4  }
0x9d: {  	_ =	strace $0x8FFFFFFF  }
0x9e: {  	s18 =	sld [smem:$0x3FDB];
	_ =	sdelay $0x1  }
0x9f: {  	s19 =	simm.s32 $_scs_section_size  }
0xa0: {  	s6 =	simm.s32 $_size__tile_overlayer_lowered;
	s7 =	simm.s32 $_tile_overlayer_lowered  }
0xa1: {  	s22 =	simm.s32 $0x1BFF;
	s21 =	sshll.u32 s7, $0x1;
	s4 =	sadd.s32 s19, s18  }
0xa2: {  	s8 =	simm.s32 $0x0;
	s20 =	sshll.u32 s6, $0x1;
	s6 =	sadd.s32 s21, s4  }
0xa3: {  	[timem:s8], [sflag:s22] =	dma.local [hbm:s6], s20  }
0xa4: {  	_ =	swait.ge [sflag:s22], s20  }
0xa5: {  	s5 =	ssub.s32 $0x0, s20;
	[sflag:s22] =	ssyncset.done $0x0  }
0xa6: {  	[sflag:s22] =	ssyncadd.s32 s5;
	_ =	sdelay $0x1  }
0xa7: {  	s23 =	simm.s32 $0x1B8B  }
0xa8: {  	_ =	swait.ge [sflag:s23], $0x1  }
0xa9: {  	[sflag:s23] =	ssyncset.done $0x0  }
0xaa: {  	s25 =	simm.s32 $0x1B8E;
	s24 =	sld [smem:$0x3FFE];
	[sflag:s23] =	ssyncadd.s32 $0xFFFFFFFF  }
0xab: {  	s26 =	simm.s32 $execute0_lowered;
	[smem:$0x3FD2] =	sst s25  }
0xac: {  	s6 =	sshll.u32 s26, $0x1;
	_ =	strace $0x80000046;
	[dreg:$0x1] =	wrdreg $0xFFFFFFFF  }
0xad: {  	s28 =	simm.s32 $_size_execute0_lowered;
	s4 =	sadd.s32 s4, s6;
	[dreg:$0x0] =	wrdreg $0x0  }
0xae: {  	s6 =	sshll.u32 s28, $0x1;
	[dreg:$0x2] =	wrdreg s4  }
0xaf: {  	[dreg:$0x3] =	wrdreg s6  }
0xb0: {  	[dreg:$0x4] =	wrdreg $0xC0  }
0xb1: {  	_ =	task [dreg:s8], $0x5FFFF  }
0xb2: {  	[dreg:$0x1] =	wrdreg $0xFFFFFFFF  }
0xb3: {  	[dreg:$0x0] =	wrdreg $0x60  }
0xb4: {  	[dreg:$0x2] =	wrdreg s15  }
0xb5: {  	[dreg:$0x3] =	wrdreg s16  }
0xb6: {  	[dreg:$0x4] =	wrdreg s24  }
0xb7: {  	[dreg:$0x5] =	wrdreg $0x9  }
0xb8: {  	_ =	task.clear_ibuf [dreg:s8], $0x6FFFF;
	_ =	strace $0x90000046  }
0xb9: {  	s29 =	simm.s32 $0x9;
	_ =	strace $0x80000048  }
0xba: {  	_ =	swait.ge [sflag:s29], $0x1  }
0xbb: {  	[sflag:s29] =	ssyncadd.s32 $0xFFFFFFFF  }
0xbc: {  	_ =	strace $0x90000048  }
0xbd: {  	_ =	sfence  }
0xbe: {  	s30 =	sld [smem:$0x0];
	_ =	sdelay $0x2  }
0xbf: {  	s31 =	sshll.u32 s1, $0xD;
	s1 =	sshrl.u32 s1, $0x2  }
0xc0: {  	s3 =	sand.u32 $0x4000, s31;
	s1 =	sadd.s32 s1, s30  }
0xc1: {  	s0 =	sor.u32 s3, s0;
	s1 =	sshll.u32 s1, $0x11  }
0xc2: {  	s0 =	sor.u32 s1, s0  }
0xc3: {  	s0 =	sadd.s32 $0x8F2B, s0  }
0xc4: {  	[sflag:s0] =	ssyncadd.remote.s32 $0x1  }
0xc5: {  	_ =	sfence.sel $0xFFFF  }
0xc6: {  	[dreg:$0x0] =	wrdreg $0xFFFFFFFF;
	(pc) =	sbr.abs _section_cstart, $3  }
0xc7: {  	[dreg:$0x1] =	wrdreg $0xFFFFFFFF  }
0xc8: {  	_ =	task.clear_ibuf [dreg:s8], $0x2FFFF;
	_ =	strace $0x9FFFFFFF  }
0xc9: {  	(tm) =	ssettm $0x7FFFFFFF  }
tec
execute0_lowered:
.L_overlay_start_1:
0x0: {  	(tag) =	ssettag $0x1  }
0x1: {  	s1 =	rddreg [dreg:$0x0]  }
0x2: {  	s0 =	srdreg.scid;
	s2 =	rddreg [dreg:$0x1]  }
0x3: {  	s3 =	stileid.u32;
	s5 =	rddreg [dreg:$0x2]  }
0x4: {  	s12 =	simm.s32 $0x2800;
	s13 =	simm.s32 $0x80;
	s14 =	simm.s32 $0x5000  }
0x5: {  	s15 =	simm.s32 $0x9000;
	s17 =	simm.s32 $0x1;
	s20 =	simm.s32 $0x2  }
0x6: {  	s21 =	simm.s32 $0x5;
	s22 =	simm.s32 $0x6;
	s23 =	simm.s32 $0x7  }
0x7: {  	s24 =	simm.s32 $0x8;
	s0 =	sand.u32 $0x1, s0;
	s3 =	sshll.u32 s3, $0x1  }
0x8: {  	s25 =	simm.s32 $0x0;
	s4 =	sadd.s32 $0xCE00, s5;
	s6 =	sor.u32 s0, s3  }
0x9: {  	s3 =	simm.s32 $0x0;
	s9 =	ssub.s32 $0x2, s0;
	s7 =	smul.u32 $0x500, s6  }
0xa: {  	s0 =	sadd.s32 $0x50CE00, s5;
	[smem:$0x7FF] =	sst s3;
	s11 =	smul.u32 $0x50, s6  }
0xb: {  	s10 =	sshrl.u32 s9, $0x1;
	s6 =	smul.u32 $0x28000, s6;
	_ =	strace $0x80000047  }
0xc: {  	s29 =	ssub.s32 s9, s10;
	[dreg:$0x4] =	wrdreg s11;
	s2 =	sadd.s32 s2, s7  }
0xd: {  	s8 =	sadd.s32 s7, s5;
	s31 =	smax.u32 s29, $0x1;
	[dreg:$0x5] =	wrdreg s2  }
0xe: {  	s9 =	sadd.s32 s4, s6;
	s30 =	sadd.s32 $0x2E00, s8;
	[dreg:$0x7] =	wrdreg s31  }
0xf: {  	s10 =	sadd.s32 s0, s6;
	s11 =	simm.s32 $0x9;
	[dreg:$0x6] =	wrdreg s30  }
.LBB2_1:
0x10: {  	s2 =	rddreg [dreg:$0x5]  }
0x11: {  	[tilespmem:s3], [sflag:$0x9] =	stream.linear.gather [hbm4b:s2+s3], $0x2800, $0x38;
	[tilespmem:$0x15000] =	vst v63  }
0x12: {  	_ =	swait.ge [sflag:s11], $0x2800  }
0x13: {  	[sflag:s11] =	ssyncset.done $0x0  }
0x14: {  	s5 =	rddreg [dreg:$0x6];
	[sflag:s11] =	ssyncadd.s32 $0xFFFFD800  }
0x15: {  	[tilespmem:s12], [sflag:$0x9] =	stream.linear.gather [hbm4b:s5+s3], $0x2800, $0x38;
	[tilespmem:$0x15000] =	vst v63  }
0x16: {  	_ =	swait.ge [sflag:s11], $0x2800  }
0x17: {  	s6 =	simm.s32 $0xD000;
	[sflag:s11] =	ssyncset.done $0x0  }
0x18: {  	p0 =	por $0x1, $0x1;
	s2 =	simm.s32 $0x4;
	[sflag:s11] =	ssyncadd.s32 $0xFFFFD800  }
0x19: {  	[tilespmem:s14], [sflag:$0x1] =	stream.indirect.gather [hbm4b:s1+s13], $0x80, s3, s13, $0xb8;
	[tilespmem:$0x15000] =	vst v63  }
0x1a: {  	s7 =	simm.s32 $0x2880;
	s26 =	simm.s32 $0x5;
	s2 =	sand.u32 @p0 $0x3, s2  }
0x1b: {  	[tilespmem:s15], [sflag:$0x2] =	stream.indirect.gather [hbm4b:s1+s13], $0x80, s12, s13, $0xb8;
	[tilespmem:$0x15000] =	vst v63  }
0x1c: {  	s28 =	simm.s32 $0x500;
	s19 =	sadd.s32 @p0 $0x5, s2;
	s31 =	sadd.s32 @p0 $0x1, s2  }
0x1d: {  	[tilespmem:s6], [sflag:$0x3] =	stream.indirect.gather [hbm4b:s1+s13], $0x80, s13, s13, $0xb8;
	[tilespmem:$0x15000] =	vst v63  }
0x1e: {  	s2 =	sshll.u32 @p0 s2, $0xE;
	s6 =	simm.s32 $0x2;
	_ =	swait.ge [sflag:s17], $0x4000  }
0x1f: {  	s5 =	simm.s32 $0x11000;
	s29 =	sand.u32 $0x3, s6;
	[sflag:s17] =	ssyncset.done $0x0  }
0x20: {  	s18 =	sand.u32 @p0 $0x1, s6;
	s6 =	sand.u32 @!p0 $0x1, s6;
	[sflag:s17] =	ssyncadd.s32 $0xFFFFC000  }
0x21: {  	[hbm4b:s9+s3] =	stream.linear.scatter [tilespmem:s14], [sflag:$0x5], $0x4000, $0x38;
	[tilespmem:$0x15000] =	vst v63  }
0x22: {  	s30 =	sadd.s32 $0x1, s29;
	p2 =	seq.s32 @p0 s18, $0x1;
	p3 =	seq.s32 @!p0 s6, $0x1  }
0x23: {  	[tilespmem:s5], [sflag:$0x4] =	stream.indirect.gather [hbm4b:s1+s13], $0x80, s7, s13, $0xb8;
	[tilespmem:$0x15000] =	vst v63  }
0x24: {  	p1 =	por !p2, !p0;
	p2 =	por p2, !p0;
	_ =	swait.ge [sflag:s20], $0x4000  }
0x25: {  	p3 =	por !p3, p0;
	s5 =	simm.s32 $0x400;
	[sflag:s20] =	ssyncset.done $0x0  }
0x26: {  	s18 =	sand.u32 @p0 $0x1FE00, s5;
	s16 =	rddreg [dreg:$0x4];
	[sflag:s20] =	ssyncadd.s32 $0xFFFFC000  }
0x27: {  	[hbm4b:s10+s3] =	stream.linear.scatter [tilespmem:s15], [sflag:$0x6], $0x4000, $0x38;
	[tilespmem:$0x15000] =	vst v63  }
0x28: {  	s5 =	sshrl.u32 @!p1 s18, $0x2;
	s16 =	sadd.s32 $0x1, s16;
	_ =	swait.ge @p0 [sflag:s19], $0x4000  }
0x29: {  	s5 =	sadd.s32 @!p1 $0x2800, s5;
	s8 =	sshll.u32 s16, $0xB;
	[sflag:s19] =	ssyncset.done @p0 $0x0  }
0x2a: {  	s16 =	sadd.s32 @p0 $0x5000, s2;
	[sflag:s19] =	ssyncadd.s32 @p0 $0xFFFFC000;
	s19 =	simm.s32 @!p1 $0x80  }
0x2b: {  	[tilespmem:s16], [sflag:s31] =	stream.indirect.gather @!p1 [hbm4b:s1+s19], $0x80, s5, s19, $0xb8;
	[tilespmem:$0x15000] =	vst v63  }
0x2c: {  	s6 =	simm.s32 @!p2 $0x80;
	s7 =	smov.u32 s0;
	s5 =	smov.u32 s0  }
0x2d: {  	s7 =	smov.u32 @p1 s4;
	s2 =	sshrl.u32 @!p2 s18, $0x2;
	s5 =	smov.u32 @p3 s4  }
0x2e: {  	s18 =	sand.u32 $0x1FFFF800, s8;
	s19 =	sshll.u32 s29, $0xE;
	s5 =	smov.u32 @p0 s7  }
.LBB2_2:
0x2f: {  	[tilespmem:s16], [sflag:s31] =	stream.indirect.gather @!p2 [hbm4b:s1+s6], $0x80, s2, s6, $0xb8;
	[tilespmem:$0x15000] =	vst v63  }
0x30: {  	s2 =	smov.u32 s26;
	s6 =	smov.u32 s28;
	_ =	swait.ge [sflag:s30], $0x4000  }
0x31: {  	s26 =	sadd.s32 $0x1, s26;
	s5 =	sadd.s32 s5, s18;
	[sflag:s30] =	ssyncset.done $0x0  }
0x32: {  	s7 =	sadd.s32 $0x5000, s19;
	s8 =	sadd.s32 $0x5, s29;
	[sflag:s30] =	ssyncadd.s32 $0xFFFFC000  }
0x33: {  	[hbm4b:s5+s3] =	stream.linear.scatter [tilespmem:s7], [sflag:s8], $0x4000, $0x38;
	[tilespmem:$0x15000] =	vst v63  }
0x34: {  	s28 =	sadd.s32 $0x100, s28;
	p0 =	sne.s32 s26, $0xA2;
	s5 =	sadd.s32 $0xFFFFFFFE, s2  }
0x35: {  	s18 =	rddreg [dreg:$0x4];
	s29 =	sand.u32 $0x3, s5;
	p1 =	slt.u32 s5, $0x9E  }
0x36: {  	s8 =	sshrl.u32 s5, $0x1;
	s16 =	sand.u32 @p1 $0x3, s2;
	s2 =	sand.u32 @p1 $0x1, s5  }
0x37: {  	s30 =	sadd.s32 $0x1, s29;
	s5 =	sand.u32 @!p1 $0x1, s5;
	s7 =	sadd.s32 s18, s8  }
0x38: {  	s19 =	sadd.s32 @p1 $0x5, s16;
	p2 =	seq.s32 @p1 s2, $0x1;
	s2 =	sand.u32 @p1 $0x1FE00, s6  }
0x39: {  	s31 =	sadd.s32 @p1 $0x1, s16;
	p4 =	seq.s32 @!p1 s5, $0x1;
	s7 =	sshll.u32 s7, $0xB  }
0x3a: {  	s5 =	sshll.u32 @p1 s16, $0xE;
	_ =	swait.ge @p1 [sflag:s19], $0x4000;
	p3 =	por !p2, !p1  }
0x3b: {  	p2 =	por p2, !p1;
	p4 =	por !p4, p1;
	s16 =	sadd.s32 @p1 $0x5000, s5  }
0x3c: {  	s5 =	smov.u32 s0;
	s18 =	sand.u32 $0x1FFFF800, s7;
	[sflag:s19] =	ssyncset.done @p1 $0x0  }
.Ltmp0:
0x3d: {  	s6 =	sshrl.u32 @!p3 s2, $0x2;
	s2 =	sshrl.u32 @!p2 s2, $0x2;
	(pc) =	sbr.rel @p0 .LBB2_2-.Ltmp0, $4  }
0x3e: {  	s8 =	simm.s32 @!p3 $0x80;
	[sflag:s19] =	ssyncadd.s32 @p1 $0xFFFFC000;
	s19 =	smov.u32 s0  }
0x3f: {  	s5 =	smov.u32 @p4 s4;
	s6 =	sadd.s32 @!p3 $0x2800, s6;
	s19 =	smov.u32 @p3 s4  }
0x40: {  	[tilespmem:s16], [sflag:s31] =	stream.indirect.gather @!p3 [hbm4b:s1+s8], $0x80, s6, s8, $0xb8;
	[tilespmem:$0x15000] =	vst v63  }
0x41: {  	s6 =	simm.s32 @!p2 $0x80;
	s5 =	smov.u32 @p1 s19;
	s19 =	sshll.u32 s29, $0xE  }
0x42: {  	[tilespmem:s16], [sflag:s31] =	stream.indirect.gather @!p2 [hbm4b:s1+s6], $0x80, s2, s6, $0xb8;
	[tilespmem:$0x15000] =	vst v63  }
0x43: {  	_ =	swait.ge [sflag:s30], $0x4000  }
0x44: {  	s26 =	sadd.s32 s5, s18;
	[sflag:s30] =	ssyncset.done $0x0  }
0x45: {  	s28 =	sadd.s32 $0x5000, s19;
	s29 =	sadd.s32 $0x5, s29;
	[sflag:s30] =	ssyncadd.s32 $0xFFFFC000  }
0x46: {  	[hbm4b:s26+s3] =	stream.linear.scatter [tilespmem:s28], [sflag:s29], $0x4000, $0x38;
	[tilespmem:$0x15000] =	vst v63  }
0x47: {  	_ =	swait.ge [sflag:s21], $0x4000  }
0x48: {  	[sflag:s21] =	ssyncset.done $0x0  }
0x49: {  	[sflag:s21] =	ssyncadd.s32 $0xFFFFC000  }
0x4a: {  	_ =	swait.ge [sflag:s22], $0x4000  }
0x4b: {  	[sflag:s22] =	ssyncset.done $0x0  }
0x4c: {  	[sflag:s22] =	ssyncadd.s32 $0xFFFFC000  }
0x4d: {  	_ =	swait.ge [sflag:s23], $0x4000  }
0x4e: {  	[sflag:s23] =	ssyncset.done $0x0  }
0x4f: {  	[sflag:s23] =	ssyncadd.s32 $0xFFFFC000  }
0x50: {  	_ =	swait.ge [sflag:s24], $0x4000  }
0x51: {  	s25 =	sadd.s32 $0x1, s25;
	s31 =	rddreg [dreg:$0x7]  }
0x52: {  	p0 =	sne.s32 s25, s31  }
.Ltmp1:
0x53: {  	_ = 	snop;
	(pc) =	sbr.rel @p0 .LBB2_1-.Ltmp1, $3  }
0x54: {  	_ =	sdelay $0x1  }
0x55: {  	[sflag:s24] =	ssyncset.done $0x0  }
0x56: {  	[sflag:s24] =	ssyncadd.s32 $0xFFFFC000  }
0x57: {  	_ =	sfence.sel $0x180000  }
0x58: {  	[bflag:$0x0] =	sbarrier.arrive $0xFFFF  }
0x59: {  	_ =	strace $0x90000047  }
0x5a: {  	s0 =	stileid.u32;
	[bflag:$0x2] =	sbarrier.arrive $0xFFFF  }
0x5b: {  	p0 =	sne.s32 s0, $0x0;
	s0 =	rddreg [dreg:$0x3]  }
0x5c: {  	s0 =	sadd.s32 @!p0 $0x100000, s0  }
0x5d: {  	[sflag:s0] =	ssyncadd.tile.s32 @!p0 $0x1;
	_ =	shalt  }
.Lfunc_end2:
_tile_overlayer_lowered:
.L_overlay_start_2:
0x5e: {  	(tag) =	ssettag $0x2  }
0x5f: {  	s0 =	rddreg [dreg:$0x0];
	s2 =	stileid.u32  }
0x60: {  	s1 =	rddreg [dreg:$0x1];
	p0 =	sne.s32 s2, $0x0  }
0x61: {  	s3 =	rddreg [dreg:$0x2];
	[bflag:$0x3] =	sbarrier.arrive $0xFFFF;
	s2 =	simm.s32 @!p0 $0x1C09  }
0x62: {  	[timem:s3], [sflag:s2] =	dma.local @!p0 [hbm:s0], s1  }
0x63: {  	s0 =	simm.s32 @!p0 $0x9  }
0x64: {  	_ =	swait.ge @!p0 [sflag:s0], s1  }
0x65: {  	s1 =	ssub.s32 @!p0 $0x0, s1;
	[sflag:s0] =	ssyncset.done @!p0 $0x0  }
0x66: {  	[sflag:s0] =	ssyncadd.s32 @!p0 s1  }
0x67: {  	[bflag:$0x3] =	sbarrier.arrive $0xFFFF  }
0x68: {  	_ =	shalt  }

</sc_bundles>
